<compile_context>
chip_gen: v7x
topology: tpu7x:2x2x1
jax: 0.10.2.dev20260603
libtpu: 0.0.44.dev20260713+nightly
codegen_flags: <defaults>
</compile_context>

<pallas_src>
import functools

import jax
import jax.numpy as jnp
from jax import lax
from jax.experimental import pallas as pl
from jax.experimental.pallas import tpu as pltpu
from jax.experimental.pallas import tpu_sc as plsc

V1 = 100000
V2 = 100000
D = 256
S = 2048
N_ITERS = 3

_NC = 2
_NS = 16
_NW = _NC * _NS
_CHUNK = S // _NW


def _wid():
    return lax.axis_index("s") * _NC + lax.axis_index("c")


@functools.lru_cache(maxsize=None)
def _sc_kernels():
    mesh = plsc.VectorSubcoreMesh(
        core_axis_name="c", subcore_axis_name="s",
        num_cores=_NC, num_subcores=_NS)

    @functools.partial(
        pl.kernel,
        out_type=(
            jax.ShapeDtypeStruct((S, D), jnp.float32),
            jax.ShapeDtypeStruct((S, D), jnp.float32),
        ),
        mesh=mesh,
        scratch_types=(
            pltpu.VMEM((_CHUNK,), jnp.int32),
            pltpu.VMEM((_CHUNK,), jnp.int32),
            pltpu.VMEM((_CHUNK, D), jnp.float32),
            pltpu.VMEM((_CHUNK, D), jnp.float32),
            pltpu.SemaphoreType.DMA,
            pltpu.SemaphoreType.DMA,
            pltpu.SemaphoreType.DMA,
            pltpu.SemaphoreType.DMA,
        ),
    )
    def sc_gather(l1_tbl, l2_tbl, l1_idx, l2_idx, l1_out, l2_out,
                  idx1_v, idx2_v, rows1_v, rows2_v, s1, s2, s3, s4):
        base = _wid() * _CHUNK
        pltpu.sync_copy(l1_idx.at[pl.ds(base, _CHUNK)], idx1_v)
        pltpu.sync_copy(l2_idx.at[pl.ds(base, _CHUNK)], idx2_v)
        cp1 = pltpu.async_copy(l1_tbl.at[idx1_v], rows1_v, s1)
        cp2 = pltpu.async_copy(l2_tbl.at[idx2_v], rows2_v, s2)
        cp1.wait()
        cp3 = pltpu.async_copy(rows1_v, l1_out.at[pl.ds(base, _CHUNK)], s3)
        cp2.wait()
        cp4 = pltpu.async_copy(rows2_v, l2_out.at[pl.ds(base, _CHUNK)], s4)
        cp3.wait()
        cp4.wait()

    _RNG = 3128
    _CROWS = 184
    _NCHUNK = _RNG // _CROWS

    @functools.partial(
        pl.kernel,
        out_type=jax.ShapeDtypeStruct((V2, D), jnp.float32),
        mesh=mesh,
        scratch_types=(
            pltpu.VMEM((_CROWS, D), jnp.float32),
            pltpu.VMEM((_CROWS, D), jnp.float32),
            pltpu.SemaphoreType.DMA,
            pltpu.SemaphoreType.DMA,
            pltpu.SemaphoreType.DMA,
            pltpu.SemaphoreType.DMA,
        ),
    )
    def sc_copy(src, dst, buf_a, buf_b, g0, g1, s0, s1):
        base = pl.multiple_of(
            jnp.minimum(_wid() * _RNG, V2 - _RNG), 8)
        bufs = (buf_a, buf_b)
        gsem = (g0, g1)
        ssem = (s0, s1)
        gets = [None, None]
        puts = [None, None]
        gets[0] = pltpu.async_copy(src.at[pl.ds(base, _CROWS)], bufs[0], gsem[0])
        for i in range(_NCHUNK):
            b = i & 1
            nb = (i + 1) & 1
            if i + 1 < _NCHUNK:
                if puts[nb] is not None:
                    puts[nb].wait()
                gets[nb] = pltpu.async_copy(
                    src.at[pl.ds(base + (i + 1) * _CROWS, _CROWS)],
                    bufs[nb], gsem[nb])
            gets[b].wait()
            puts[b] = pltpu.async_copy(
                bufs[b], dst.at[pl.ds(base + i * _CROWS, _CROWS)], ssem[b])
        puts[0].wait()
        puts[1].wait()

    @functools.partial(
        pl.kernel,
        out_type=(),
        mesh=mesh,
        scratch_types=(
            pltpu.VMEM((_CHUNK,), jnp.int32),
            pltpu.VMEM((_CHUNK, D), jnp.float32),
            pltpu.SemaphoreType.DMA,
        ),
    )
    def sc_scatter(tbl_ref, ids, val, idx_v, rows_v, sem):
        base = _wid() * _CHUNK
        pltpu.sync_copy(ids.at[pl.ds(base, _CHUNK)], idx_v)
        pltpu.sync_copy(val.at[pl.ds(base, _CHUNK)], rows_v)
        pltpu.async_copy(rows_v, tbl_ref.at[idx_v], sem).wait()

    return sc_gather, sc_copy, sc_scatter


def _tc_body(l1_enc_r, l2_enc_r, ids_col_r, ids_row_r, ind_col_r, ind_row_r,
             l1d_col_r, l1d_row_r, W_ctx_r, b_ctx_r, Wthp_a_r, Wthp_b_r,
             bthp_r, out_r, val_r):
    f32 = jnp.float32
    bf16 = jnp.bfloat16
    l1_enc = l1_enc_r[...]
    l2_enc = l2_enc_r[...]
    ind_col = ind_col_r[...]
    l1d_col = l1d_col_r[...]
    special_col = (l1d_col == 0) | (l1d_col == 1)
    l1m_col = ((ind_col == 1) & ~special_col)
    l2m_col = ((ind_col == 2) & ~special_col)
    mixed = l1m_col.astype(f32) * l1_enc + l2m_col.astype(f32) * l2_enc

    W_ctx = W_ctx_r[...]
    b_ctx = b_ctx_r[...]
    Wthp_a = Wthp_a_r[...]
    Wthp_b = Wthp_b_r[...]
    bthp = bthp_r[...]

    dot = lambda a, b: jnp.dot(a.astype(bf16), b, preferred_element_type=f32)
    out = mixed
    for _ in range(N_ITERS):
        hidden = jnp.tanh(dot(mixed, W_ctx) + b_ctx)
        thp = dot(mixed, Wthp_a) + dot(hidden, Wthp_b) + bthp
        t = jax.nn.sigmoid(thp[:, :D])
        h = jax.nn.relu(thp[:, D:2 * D])
        p = thp[:, 2 * D:]
        out = t * h + (1.0 - t) * p
        mixed = jnp.where(l2m_col, out, mixed)
    out_r[...] = out

    ids_col = ids_col_r[...]
    ids_row = ids_row_r[...]
    ind_row = ind_row_r[...]
    l1d_row = l1d_row_r[...]
    l2m_row = (ind_row == 2) & ~((l1d_row == 0) | (l1d_row == 1))
    idsm_row = jnp.where(l2m_row, ids_row, -1)
    BLK = 256
    out_bf = out.astype(bf16)
    for b in range(S // BLK):
        sl = slice(b * BLK, (b + 1) * BLK)
        cond = ids_col[sl] == idsm_row
        cnt = jnp.sum(cond, axis=1, keepdims=True).astype(f32)
        sums = jnp.dot(cond.astype(bf16), out_bf,
                       preferred_element_type=f32)
        old = l2_enc[sl]
        val = jnp.where(cnt > 0.0,
                        0.5 * old + 0.5 * sums / jnp.maximum(cnt, 1.0),
                        old)
        val_r[sl, :] = val


_tc_call = pl.pallas_call(
    _tc_body,
    out_shape=(
        jax.ShapeDtypeStruct((S, D), jnp.float32),
        jax.ShapeDtypeStruct((S, D), jnp.float32),
    ),
)


def kernel(lengths, l1_data, l2_data, ind, l1_table, l2_table, W_ctx, b_ctx,
           Wt, bt, Wh, bh, Wp):
    del lengths
    bf16 = jnp.bfloat16
    l1d = l1_data.reshape(S)
    ids = l2_data.reshape(S)
    ind_f = ind.reshape(S)

    sc_gather, sc_copy, sc_scatter = _sc_kernels()
    l1_enc, l2_enc = sc_gather(l1_table, l2_table, l1d, ids)
    tbl_copy = sc_copy(l2_table)

    Wthp_a = jnp.concatenate([Wt[:D], Wh[:D], Wp[:D]], axis=1).astype(bf16)
    Wthp_b = jnp.concatenate([Wt[D:], Wh[D:], Wp[D:]], axis=1).astype(bf16)
    bthp = jnp.concatenate([bt, bh, jnp.zeros((D,), jnp.float32)])[None, :]

    out, val = _tc_call(
        l1_enc, l2_enc,
        ids[:, None], ids[None, :],
        ind_f[:, None], ind_f[None, :],
        l1d[:, None], l1d[None, :],
        W_ctx.astype(bf16), b_ctx[None, :],
        Wthp_a, Wthp_b, bthp,
    )

    tbl = jax.new_ref(tbl_copy)
    sc_scatter(tbl, ids, val)
    new_l2_table = jax.freeze(tbl)
    return out[None, :, :], new_l2_table

# --- scband reference (transcript-rebuilt; emitter-appended) ---
"""Pipeline reference for scband-l2-mse-cloze-7421703487839 (READ-ONLY COPY).

The authoritative reference and input builder live on the scoring server;
editing this copy changes nothing except your own understanding.
"""

import jax, jax.numpy as jnp
import numpy as np

V1 = 100000
V2 = 100000
D = 256
S = 2048
PAD = 0
UNK = 1
ITERS = 2
ORTHO_MODE = 1


def setup_inputs(seed: int = 0) -> dict:
    key = jax.random.key(seed)
    ks = jax.random.split(key, 14)
    lengths = jnp.array([S], dtype=jnp.int32)
    l1_data = jax.random.randint(ks[0], (1, S), 0, V1, dtype=jnp.int32)
    l2_data = jax.random.randint(ks[1], (1, S), 0, V2, dtype=jnp.int32)
    ind = jax.random.randint(ks[2], (1, S), 0, 3, dtype=jnp.int32)
    l1_table = jax.random.normal(ks[3], (V1, D), dtype=jnp.float32) * 0.02
    l2_table = jax.random.normal(ks[4], (V2, D), dtype=jnp.float32) * 0.02
    W_ctx = jax.random.normal(ks[5], (D, D), dtype=jnp.float32) * (1.0 / np.sqrt(D))
    b_ctx = jnp.zeros((D,), dtype=jnp.float32)
    Wt = jax.random.normal(ks[6], (2 * D, D), dtype=jnp.float32) * (1.0 / np.sqrt(2 * D))
    bt = jnp.zeros((D,), dtype=jnp.float32)
    Wh = jax.random.normal(ks[7], (2 * D, D), dtype=jnp.float32) * (1.0 / np.sqrt(2 * D))
    bh = jnp.zeros((D,), dtype=jnp.float32)
    Wp = jax.random.normal(ks[8], (2 * D, D), dtype=jnp.float32) * (1.0 / np.sqrt(2 * D))
    return {"lengths": lengths, "l1_data": l1_data, "l2_data": l2_data, "ind": ind,
            "l1_table": l1_table, "l2_table": l2_table, "W_ctx": W_ctx, "b_ctx": b_ctx,
            "Wt": Wt, "bt": bt, "Wh": Wh, "bh": bh, "Wp": Wp}


def reference(lengths, l1_data, l2_data, ind, l1_table, l2_table, W_ctx, b_ctx, Wt, bt, Wh, bh, Wp):
    # index masks, zeroing special tokens (PAD/UNK) as in torch forward
    l1_idxs = (ind == 1)
    l2_idxs = (ind == 2)
    special = (l1_data == PAD) | (l1_data == UNK)
    l1_idxs = jnp.where(special, False, l1_idxs)
    l2_idxs = jnp.where(special, False, l2_idxs)
    # embedding lookups (gathers)
    l1_enc = jnp.take(l1_table, l1_data, axis=0)  # [1, S, D]
    l2_enc = jnp.take(l2_table, l2_data, axis=0)  # [1, S, D]
    # mix_inputs
    v = l1_idxs[..., None].astype(jnp.float32)
    g = l2_idxs[..., None].astype(jnp.float32)
    mixed_encoded = v * l1_enc + g * l2_enc
    out = None
    for _ in range(ITERS + 1):  # while-loop runs iters+1 times
        hidden = jnp.tanh(jnp.einsum('bsd,de->bse', mixed_encoded, W_ctx) + b_ctx)
        if ORTHO_MODE == 0:
            cat = jnp.concatenate([jnp.zeros_like(mixed_encoded), hidden], axis=2)
        else:
            cat = jnp.concatenate([mixed_encoded, hidden], axis=2)
        t = jax.nn.sigmoid(jnp.einsum('bsd,de->bse', cat, Wt) + bt)
        h = jax.nn.relu(jnp.einsum('bsd,de->bse', cat, Wh) + bh)
        out = t * h + (1.0 - t) * jnp.einsum('bsd,de->bse', cat, Wp)
        # scatter-overwrite: mixed_encoded[l2_idxs == 1, :] = out[l2_idxs == 1, :]
        mixed_encoded = jnp.where(l2_idxs[..., None], out, mixed_encoded)
    # update_l2_encoder: EMA scatter into l2 table, grouped mean per index (exp=2.0)
    flat_out = out.reshape(-1, D)
    flat_ids = l2_data.reshape(-1)
    flat_mask = l2_idxs.reshape(-1).astype(jnp.float32)
    sums = jax.ops.segment_sum(flat_out * flat_mask[:, None], flat_ids, num_segments=V2)
    counts = jax.ops.segment_sum(flat_mask, flat_ids, num_segments=V2)
    mean = sums / jnp.maximum(counts, 1.0)[:, None]
    new_l2_table = jnp.where((counts > 0.0)[:, None], 0.5 * l2_table + 0.5 * mean, l2_table)
    return out, new_l2_table

if __name__ == "__main__":
    import jax
    _d = setup_inputs()
    print(jax.jit(kernel)(*tuple(_d.values())))

</pallas_src>

<mosaic_0001>
#map = affine_map<(d0, d1) -> (0, 0)>
module attributes {stable_mosaic.version = 14 : i64} {
  func.func @sc_copy(%arg0: i32, %arg1: i32, %arg2: memref<100000x256xf32, #tpu.memory_space<hbm>>, %arg3: memref<100000x256xf32, #tpu.memory_space<hbm>>, %arg4: memref<184x256xf32, #tpu.memory_space<vmem>>, %arg5: memref<184x256xf32, #tpu.memory_space<vmem>>, %arg6: memref<!tpu.dma_semaphore, #tpu.memory_space<semaphore_mem>>, %arg7: memref<!tpu.dma_semaphore, #tpu.memory_space<semaphore_mem>>, %arg8: memref<!tpu.dma_semaphore, #tpu.memory_space<semaphore_mem>>, %arg9: memref<!tpu.dma_semaphore, #tpu.memory_space<semaphore_mem>>) attributes {dimension_semantics = [#tpu.dimension_semantics<core_parallel>, #tpu.dimension_semantics<subcore_parallel>], iteration_bounds = array<i64: 2, 16>, scalar_prefetch = 0 : i64, scratch_operands = 6 : i64, tpu.core_type = #tpu.core_type<sc_vector_subcore>, window_params = [{transform_indices = #map}, {transform_indices = #map}]} {
    %mul3A = arith.constant 2 : i32
    %mul3A_0 = arith.muli %arg1, %mul3A : i32
    %add3A = arith.addi %mul3A_0, %arg0 : i32
    %mul3A_1 = arith.constant 3128 : i32
    %mul3A_2 = arith.muli %add3A, %mul3A_1 : i32
    %min3A = arith.constant 96872 : i32
    %min3A_3 = arith.minsi %mul3A_2, %min3A : i32
    %multiple_of3A = tpu.assume_multiple %min3A_3, 8 : i32
    %dma_start3A = arith.constant 0 : i32
    %dma_start3A_4 = tpu.memref_slice %arg2[%multiple_of3A, %dma_start3A] : memref<100000x256xf32, #tpu.memory_space<hbm>> -> memref<184x256xf32, #tpu.memory_space<hbm>>
    %dma_start3A_5 = arith.constant 0 : i32
    %dma_start3A_6 = tpu.memref_slice %arg2[%multiple_of3A, %dma_start3A_5] : memref<100000x256xf32, #tpu.memory_space<hbm>> -> memref<184x256xf32, #tpu.memory_space<hbm>>
    tpu.enqueue_dma source(%dma_start3A_6 : memref<184x256xf32, #tpu.memory_space<hbm>>) target(%arg4 : memref<184x256xf32, #tpu.memory_space<vmem>>) target_semaphore(%arg6 : memref<!tpu.dma_semaphore, #tpu.memory_space<semaphore_mem>>)
    %add3A_7 = arith.constant 184 : i32
    %add3A_8 = arith.addi %multiple_of3A, %add3A_7 : i32
    %dma_start3A_9 = arith.constant 0 : i32
    %dma_start3A_10 = tpu.memref_slice %arg2[%add3A_8, %dma_start3A_9] : memref<100000x256xf32, #tpu.memory_space<hbm>> -> memref<184x256xf32, #tpu.memory_space<hbm>>
    %dma_start3A_11 = arith.constant 0 : i32
    %dma_start3A_12 = tpu.memref_slice %arg2[%add3A_8, %dma_start3A_11] : memref<100000x256xf32, #tpu.memory_space<hbm>> -> memref<184x256xf32, #tpu.memory_space<hbm>>
    tpu.enqueue_dma source(%dma_start3A_12 : memref<184x256xf32, #tpu.memory_space<hbm>>) target(%arg5 : memref<184x256xf32, #tpu.memory_space<vmem>>) target_semaphore(%arg7 : memref<!tpu.dma_semaphore, #tpu.memory_space<semaphore_mem>>)
    %dma_wait3A = arith.constant 0 : i32
    %dma_wait3A_13 = tpu.memref_slice %arg2[%multiple_of3A, %dma_wait3A] : memref<100000x256xf32, #tpu.memory_space<hbm>> -> memref<184x256xf32, #tpu.memory_space<hbm>>
    %dma_wait3A_14 = arith.constant 0 : i32
    %dma_wait3A_15 = tpu.memref_slice %arg2[%multiple_of3A, %dma_wait3A_14] : memref<100000x256xf32, #tpu.memory_space<hbm>> -> memref<184x256xf32, #tpu.memory_space<hbm>>
    tpu.wait_dma2 semaphore(%arg6 : memref<!tpu.dma_semaphore, #tpu.memory_space<semaphore_mem>>) src(%dma_wait3A_15 : memref<184x256xf32, #tpu.memory_space<hbm>>) dst(%arg4 : memref<184x256xf32, #tpu.memory_space<vmem>>)
    %add3A_16 = arith.constant 0 : i32
    %add3A_17 = arith.addi %multiple_of3A, %add3A_16 : i32
    %dma_start3A_18 = arith.constant 0 : i32
    %dma_start3A_19 = tpu.memref_slice %arg3[%add3A_17, %dma_start3A_18] : memref<100000x256xf32, #tpu.memory_space<hbm>> -> memref<184x256xf32, #tpu.memory_space<hbm>>
    %dma_start3A_20 = arith.constant 0 : i32
    %dma_start3A_21 = tpu.memref_slice %arg3[%add3A_17, %dma_start3A_20] : memref<100000x256xf32, #tpu.memory_space<hbm>> -> memref<184x256xf32, #tpu.memory_space<hbm>>
    tpu.enqueue_dma source(%arg4 : memref<184x256xf32, #tpu.memory_space<vmem>>) target(%dma_start3A_21 : memref<184x256xf32, #tpu.memory_space<hbm>>) target_semaphore(%arg8 : memref<!tpu.dma_semaphore, #tpu.memory_space<semaphore_mem>>)
    %dma_wait3A_22 = arith.constant 0 : i32
    %dma_wait3A_23 = tpu.memref_slice %arg3[%add3A_17, %dma_wait3A_22] : memref<100000x256xf32, #tpu.memory_space<hbm>> -> memref<184x256xf32, #tpu.memory_space<hbm>>
    %dma_wait3A_24 = arith.constant 0 : i32
    %dma_wait3A_25 = tpu.memref_slice %arg3[%add3A_17, %dma_wait3A_24] : memref<100000x256xf32, #tpu.memory_space<hbm>> -> memref<184x256xf32, #tpu.memory_space<hbm>>
    tpu.wait_dma2 semaphore(%arg8 : memref<!tpu.dma_semaphore, #tpu.memory_space<semaphore_mem>>) src(%arg4 : memref<184x256xf32, #tpu.memory_space<vmem>>) dst(%dma_wait3A_25 : memref<184x256xf32, #tpu.memory_space<hbm>>)
    %add3A_26 = arith.constant 368 : i32
    %add3A_27 = arith.addi %multiple_of3A, %add3A_26 : i32
    %dma_start3A_28 = arith.constant 0 : i32
    %dma_start3A_29 = tpu.memref_slice %arg2[%add3A_27, %dma_start3A_28] : memref<100000x256xf32, #tpu.memory_space<hbm>> -> memref<184x256xf32, #tpu.memory_space<hbm>>
    %dma_start3A_30 = arith.constant 0 : i32
    %dma_start3A_31 = tpu.memref_slice %arg2[%add3A_27, %dma_start3A_30] : memref<100000x256xf32, #tpu.memory_space<hbm>> -> memref<184x256xf32, #tpu.memory_space<hbm>>
    tpu.enqueue_dma source(%dma_start3A_31 : memref<184x256xf32, #tpu.memory_space<hbm>>) target(%arg4 : memref<184x256xf32, #tpu.memory_space<vmem>>) target_semaphore(%arg6 : memref<!tpu.dma_semaphore, #tpu.memory_space<semaphore_mem>>)
    %dma_wait3A_32 = arith.constant 0 : i32
    %dma_wait3A_33 = tpu.memref_slice %arg2[%add3A_8, %dma_wait3A_32] : memref<100000x256xf32, #tpu.memory_space<hbm>> -> memref<184x256xf32, #tpu.memory_space<hbm>>
    %dma_wait3A_34 = arith.constant 0 : i32
    %dma_wait3A_35 = tpu.memref_slice %arg2[%add3A_8, %dma_wait3A_34] : memref<100000x256xf32, #tpu.memory_space<hbm>> -> memref<184x256xf32, #tpu.memory_space<hbm>>
    tpu.wait_dma2 semaphore(%arg7 : memref<!tpu.dma_semaphore, #tpu.memory_space<semaphore_mem>>) src(%dma_wait3A_35 : memref<184x256xf32, #tpu.memory_space<hbm>>) dst(%arg5 : memref<184x256xf32, #tpu.memory_space<vmem>>)
    %add3A_36 = arith.constant 184 : i32
    %add3A_37 = arith.addi %multiple_of3A, %add3A_36 : i32
    %dma_start3A_38 = arith.constant 0 : i32
    %dma_start3A_39 = tpu.memref_slice %arg3[%add3A_37, %dma_start3A_38] : memref<100000x256xf32, #tpu.memory_space<hbm>> -> memref<184x256xf32, #tpu.memory_space<hbm>>
    %dma_start3A_40 = arith.constant 0 : i32
    %dma_start3A_41 = tpu.memref_slice %arg3[%add3A_37, %dma_start3A_40] : memref<100000x256xf32, #tpu.memory_space<hbm>> -> memref<184x256xf32, #tpu.memory_space<hbm>>
    tpu.enqueue_dma source(%arg5 : memref<184x256xf32, #tpu.memory_space<vmem>>) target(%dma_start3A_41 : memref<184x256xf32, #tpu.memory_space<hbm>>) target_semaphore(%arg9 : memref<!tpu.dma_semaphore, #tpu.memory_space<semaphore_mem>>)
    %dma_wait3A_42 = arith.constant 0 : i32
    %dma_wait3A_43 = tpu.memref_slice %arg3[%add3A_37, %dma_wait3A_42] : memref<100000x256xf32, #tpu.memory_space<hbm>> -> memref<184x256xf32, #tpu.memory_space<hbm>>
    %dma_wait3A_44 = arith.constant 0 : i32
    %dma_wait3A_45 = tpu.memref_slice %arg3[%add3A_37, %dma_wait3A_44] : memref<100000x256xf32, #tpu.memory_space<hbm>> -> memref<184x256xf32, #tpu.memory_space<hbm>>
    tpu.wait_dma2 semaphore(%arg9 : memref<!tpu.dma_semaphore, #tpu.memory_space<semaphore_mem>>) src(%arg5 : memref<184x256xf32, #tpu.memory_space<vmem>>) dst(%dma_wait3A_45 : memref<184x256xf32, #tpu.memory_space<hbm>>)
    %add3A_46 = arith.constant 552 : i32
    %add3A_47 = arith.addi %multiple_of3A, %add3A_46 : i32
    %dma_start3A_48 = arith.constant 0 : i32
    %dma_start3A_49 = tpu.memref_slice %arg2[%add3A_47, %dma_start3A_48] : memref<100000x256xf32, #tpu.memory_space<hbm>> -> memref<184x256xf32, #tpu.memory_space<hbm>>
    %dma_start3A_50 = arith.constant 0 : i32
    %dma_start3A_51 = tpu.memref_slice %arg2[%add3A_47, %dma_start3A_50] : memref<100000x256xf32, #tpu.memory_space<hbm>> -> memref<184x256xf32, #tpu.memory_space<hbm>>
    tpu.enqueue_dma source(%dma_start3A_51 : memref<184x256xf32, #tpu.memory_space<hbm>>) target(%arg5 : memref<184x256xf32, #tpu.memory_space<vmem>>) target_semaphore(%arg7 : memref<!tpu.dma_semaphore, #tpu.memory_space<semaphore_mem>>)
    %dma_wait3A_52 = arith.constant 0 : i32
    %dma_wait3A_53 = tpu.memref_slice %arg2[%add3A_27, %dma_wait3A_52] : memref<100000x256xf32, #tpu.memory_space<hbm>> -> memref<184x256xf32, #tpu.memory_space<hbm>>
    %dma_wait3A_54 = arith.constant 0 : i32
    %dma_wait3A_55 = tpu.memref_slice %arg2[%add3A_27, %dma_wait3A_54] : memref<100000x256xf32, #tpu.memory_space<hbm>> -> memref<184x256xf32, #tpu.memory_space<hbm>>
    tpu.wait_dma2 semaphore(%arg6 : memref<!tpu.dma_semaphore, #tpu.memory_space<semaphore_mem>>) src(%dma_wait3A_55 : memref<184x256xf32, #tpu.memory_space<hbm>>) dst(%arg4 : memref<184x256xf32, #tpu.memory_space<vmem>>)
    %add3A_56 = arith.constant 368 : i32
    %add3A_57 = arith.addi %multiple_of3A, %add3A_56 : i32
    %dma_start3A_58 = arith.constant 0 : i32
    %dma_start3A_59 = tpu.memref_slice %arg3[%add3A_57, %dma_start3A_58] : memref<100000x256xf32, #tpu.memory_space<hbm>> -> memref<184x256xf32, #tpu.memory_space<hbm>>
    %dma_start3A_60 = arith.constant 0 : i32
    %dma_start3A_61 = tpu.memref_slice %arg3[%add3A_57, %dma_start3A_60] : memref<100000x256xf32, #tpu.memory_space<hbm>> -> memref<184x256xf32, #tpu.memory_space<hbm>>
    tpu.enqueue_dma source(%arg4 : memref<184x256xf32, #tpu.memory_space<vmem>>) target(%dma_start3A_61 : memref<184x256xf32, #tpu.memory_space<hbm>>) target_semaphore(%arg8 : memref<!tpu.dma_semaphore, #tpu.memory_space<semaphore_mem>>)
    %dma_wait3A_62 = arith.constant 0 : i32
    %dma_wait3A_63 = tpu.memref_slice %arg3[%add3A_57, %dma_wait3A_62] : memref<100000x256xf32, #tpu.memory_space<hbm>> -> memref<184x256xf32, #tpu.memory_space<hbm>>
    %dma_wait3A_64 = arith.constant 0 : i32
    %dma_wait3A_65 = tpu.memref_slice %arg3[%add3A_57, %dma_wait3A_64] : memref<100000x256xf32, #tpu.memory_space<hbm>> -> memref<184x256xf32, #tpu.memory_space<hbm>>
    tpu.wait_dma2 semaphore(%arg8 : memref<!tpu.dma_semaphore, #tpu.memory_space<semaphore_mem>>) src(%arg4 : memref<184x256xf32, #tpu.memory_space<vmem>>) dst(%dma_wait3A_65 : memref<184x256xf32, #tpu.memory_space<hbm>>)
    %add3A_66 = arith.constant 736 : i32
    %add3A_67 = arith.addi %multiple_of3A, %add3A_66 : i32
    %dma_start3A_68 = arith.constant 0 : i32
    %dma_start3A_69 = tpu.memref_slice %arg2[%add3A_67, %dma_start3A_68] : memref<100000x256xf32, #tpu.memory_space<hbm>> -> memref<184x256xf32, #tpu.memory_space<hbm>>
    %dma_start3A_70 = arith.constant 0 : i32
    %dma_start3A_71 = tpu.memref_slice %arg2[%add3A_67, %dma_start3A_70] : memref<100000x256xf32, #tpu.memory_space<hbm>> -> memref<184x256xf32, #tpu.memory_space<hbm>>
    tpu.enqueue_dma source(%dma_start3A_71 : memref<184x256xf32, #tpu.memory_space<hbm>>) target(%arg4 : memref<184x256xf32, #tpu.memory_space<vmem>>) target_semaphore(%arg6 : memref<!tpu.dma_semaphore, #tpu.memory_space<semaphore_mem>>)
    %dma_wait3A_72 = arith.constant 0 : i32
    %dma_wait3A_73 = tpu.memref_slice %arg2[%add3A_47, %dma_wait3A_72] : memref<100000x256xf32, #tpu.memory_space<hbm>> -> memref<184x256xf32, #tpu.memory_space<hbm>>
    %dma_wait3A_74 = arith.constant 0 : i32
    %dma_wait3A_75 = tpu.memref_slice %arg2[%add3A_47, %dma_wait3A_74] : memref<100000x256xf32, #tpu.memory_space<hbm>> -> memref<184x256xf32, #tpu.memory_space<hbm>>
    tpu.wait_dma2 semaphore(%arg7 : memref<!tpu.dma_semaphore, #tpu.memory_space<semaphore_mem>>) src(%dma_wait3A_75 : memref<184x256xf32, #tpu.memory_space<hbm>>) dst(%arg5 : memref<184x256xf32, #tpu.memory_space<vmem>>)
    %add3A_76 = arith.constant 552 : i32
    %add3A_77 = arith.addi %multiple_of3A, %add3A_76 : i32
    %dma_start3A_78 = arith.constant 0 : i32
    %dma_start3A_79 = tpu.memref_slice %arg3[%add3A_77, %dma_start3A_78] : memref<100000x256xf32, #tpu.memory_space<hbm>> -> memref<184x256xf32, #tpu.memory_space<hbm>>
    %dma_start3A_80 = arith.constant 0 : i32
    %dma_start3A_81 = tpu.memref_slice %arg3[%add3A_77, %dma_start3A_80] : memref<100000x256xf32, #tpu.memory_space<hbm>> -> memref<184x256xf32, #tpu.memory_space<hbm>>
    tpu.enqueue_dma source(%arg5 : memref<184x256xf32, #tpu.memory_space<vmem>>) target(%dma_start3A_81 : memref<184x256xf32, #tpu.memory_space<hbm>>) target_semaphore(%arg9 : memref<!tpu.dma_semaphore, #tpu.memory_space<semaphore_mem>>)
    %dma_wait3A_82 = arith.constant 0 : i32
    %dma_wait3A_83 = tpu.memref_slice %arg3[%add3A_77, %dma_wait3A_82] : memref<100000x256xf32, #tpu.memory_space<hbm>> -> memref<184x256xf32, #tpu.memory_space<hbm>>
    %dma_wait3A_84 = arith.constant 0 : i32
    %dma_wait3A_85 = tpu.memref_slice %arg3[%add3A_77, %dma_wait3A_84] : memref<100000x256xf32, #tpu.memory_space<hbm>> -> memref<184x256xf32, #tpu.memory_space<hbm>>
    tpu.wait_dma2 semaphore(%arg9 : memref<!tpu.dma_semaphore, #tpu.memory_space<semaphore_mem>>) src(%arg5 : memref<184x256xf32, #tpu.memory_space<vmem>>) dst(%dma_wait3A_85 : memref<184x256xf32, #tpu.memory_space<hbm>>)
    %add3A_86 = arith.constant 920 : i32
    %add3A_87 = arith.addi %multiple_of3A, %add3A_86 : i32
    %dma_start3A_88 = arith.constant 0 : i32
    %dma_start3A_89 = tpu.memref_slice %arg2[%add3A_87, %dma_start3A_88] : memref<100000x256xf32, #tpu.memory_space<hbm>> -> memref<184x256xf32, #tpu.memory_space<hbm>>
    %dma_start3A_90 = arith.constant 0 : i32
    %dma_start3A_91 = tpu.memref_slice %arg2[%add3A_87, %dma_start3A_90] : memref<100000x256xf32, #tpu.memory_space<hbm>> -> memref<184x256xf32, #tpu.memory_space<hbm>>
    tpu.enqueue_dma source(%dma_start3A_91 : memref<184x256xf32, #tpu.memory_space<hbm>>) target(%arg5 : memref<184x256xf32, #tpu.memory_space<vmem>>) target_semaphore(%arg7 : memref<!tpu.dma_semaphore, #tpu.memory_space<semaphore_mem>>)
    %dma_wait3A_92 = arith.constant 0 : i32
    %dma_wait3A_93 = tpu.memref_slice %arg2[%add3A_67, %dma_wait3A_92] : memref<100000x256xf32, #tpu.memory_space<hbm>> -> memref<184x256xf32, #tpu.memory_space<hbm>>
    %dma_wait3A_94 = arith.constant 0 : i32
    %dma_wait3A_95 = tpu.memref_slice %arg2[%add3A_67, %dma_wait3A_94] : memref<100000x256xf32, #tpu.memory_space<hbm>> -> memref<184x256xf32, #tpu.memory_space<hbm>>
    tpu.wait_dma2 semaphore(%arg6 : memref<!tpu.dma_semaphore, #tpu.memory_space<semaphore_mem>>) src(%dma_wait3A_95 : memref<184x256xf32, #tpu.memory_space<hbm>>) dst(%arg4 : memref<184x256xf32, #tpu.memory_space<vmem>>)
    %add3A_96 = arith.constant 736 : i32
    %add3A_97 = arith.addi %multiple_of3A, %add3A_96 : i32
    %dma_start3A_98 = arith.constant 0 : i32
    %dma_start3A_99 = tpu.memref_slice %arg3[%add3A_97, %dma_start3A_98] : memref<100000x256xf32, #tpu.memory_space<hbm>> -> memref<184x256xf32, #tpu.memory_space<hbm>>
    %dma_start3A_100 = arith.constant 0 : i32
    %dma_start3A_101 = tpu.memref_slice %arg3[%add3A_97, %dma_start3A_100] : memref<100000x256xf32, #tpu.memory_space<hbm>> -> memref<184x256xf32, #tpu.memory_space<hbm>>
    tpu.enqueue_dma source(%arg4 : memref<184x256xf32, #tpu.memory_space<vmem>>) target(%dma_start3A_101 : memref<184x256xf32, #tpu.memory_space<hbm>>) target_semaphore(%arg8 : memref<!tpu.dma_semaphore, #tpu.memory_space<semaphore_mem>>)
    %dma_wait3A_102 = arith.constant 0 : i32
    %dma_wait3A_103 = tpu.memref_slice %arg3[%add3A_97, %dma_wait3A_102] : memref<100000x256xf32, #tpu.memory_space<hbm>> -> memref<184x256xf32, #tpu.memory_space<hbm>>
    %dma_wait3A_104 = arith.constant 0 : i32
    %dma_wait3A_105 = tpu.memref_slice %arg3[%add3A_97, %dma_wait3A_104] : memref<100000x256xf32, #tpu.memory_space<hbm>> -> memref<184x256xf32, #tpu.memory_space<hbm>>
    tpu.wait_dma2 semaphore(%arg8 : memref<!tpu.dma_semaphore, #tpu.memory_space<semaphore_mem>>) src(%arg4 : memref<184x256xf32, #tpu.memory_space<vmem>>) dst(%dma_wait3A_105 : memref<184x256xf32, #tpu.memory_space<hbm>>)
    %add3A_106 = arith.constant 1104 : i32
    %add3A_107 = arith.addi %multiple_of3A, %add3A_106 : i32
    %dma_start3A_108 = arith.constant 0 : i32
    %dma_start3A_109 = tpu.memref_slice %arg2[%add3A_107, %dma_start3A_108] : memref<100000x256xf32, #tpu.memory_space<hbm>> -> memref<184x256xf32, #tpu.memory_space<hbm>>
    %dma_start3A_110 = arith.constant 0 : i32
    %dma_start3A_111 = tpu.memref_slice %arg2[%add3A_107, %dma_start3A_110] : memref<100000x256xf32, #tpu.memory_space<hbm>> -> memref<184x256xf32, #tpu.memory_space<hbm>>
    tpu.enqueue_dma source(%dma_start3A_111 : memref<184x256xf32, #tpu.memory_space<hbm>>) target(%arg4 : memref<184x256xf32, #tpu.memory_space<vmem>>) target_semaphore(%arg6 : memref<!tpu.dma_semaphore, #tpu.memory_space<semaphore_mem>>)
    %dma_wait3A_112 = arith.constant 0 : i32
    %dma_wait3A_113 = tpu.memref_slice %arg2[%add3A_87, %dma_wait3A_112] : memref<100000x256xf32, #tpu.memory_space<hbm>> -> memref<184x256xf32, #tpu.memory_space<hbm>>
    %dma_wait3A_114 = arith.constant 0 : i32
    %dma_wait3A_115 = tpu.memref_slice %arg2[%add3A_87, %dma_wait3A_114] : memref<100000x256xf32, #tpu.memory_space<hbm>> -> memref<184x256xf32, #tpu.memory_space<hbm>>
    tpu.wait_dma2 semaphore(%arg7 : memref<!tpu.dma_semaphore, #tpu.memory_space<semaphore_mem>>) src(%dma_wait3A_115 : memref<184x256xf32, #tpu.memory_space<hbm>>) dst(%arg5 : memref<184x256xf32, #tpu.memory_space<vmem>>)
    %add3A_116 = arith.constant 920 : i32
    %add3A_117 = arith.addi %multiple_of3A, %add3A_116 : i32
    %dma_start3A_118 = arith.constant 0 : i32
    %dma_start3A_119 = tpu.memref_slice %arg3[%add3A_117, %dma_start3A_118] : memref<100000x256xf32, #tpu.memory_space<hbm>> -> memref<184x256xf32, #tpu.memory_space<hbm>>
    %dma_start3A_120 = arith.constant 0 : i32
    %dma_start3A_121 = tpu.memref_slice %arg3[%add3A_117, %dma_start3A_120] : memref<100000x256xf32, #tpu.memory_space<hbm>> -> memref<184x256xf32, #tpu.memory_space<hbm>>
    tpu.enqueue_dma source(%arg5 : memref<184x256xf32, #tpu.memory_space<vmem>>) target(%dma_start3A_121 : memref<184x256xf32, #tpu.memory_space<hbm>>) target_semaphore(%arg9 : memref<!tpu.dma_semaphore, #tpu.memory_space<semaphore_mem>>)
    %dma_wait3A_122 = arith.constant 0 : i32
    %dma_wait3A_123 = tpu.memref_slice %arg3[%add3A_117, %dma_wait3A_122] : memref<100000x256xf32, #tpu.memory_space<hbm>> -> memref<184x256xf32, #tpu.memory_space<hbm>>
    %dma_wait3A_124 = arith.constant 0 : i32
    %dma_wait3A_125 = tpu.memref_slice %arg3[%add3A_117, %dma_wait3A_124] : memref<100000x256xf32, #tpu.memory_space<hbm>> -> memref<184x256xf32, #tpu.memory_space<hbm>>
    tpu.wait_dma2 semaphore(%arg9 : memref<!tpu.dma_semaphore, #tpu.memory_space<semaphore_mem>>) src(%arg5 : memref<184x256xf32, #tpu.memory_space<vmem>>) dst(%dma_wait3A_125 : memref<184x256xf32, #tpu.memory_space<hbm>>)
    %add3A_126 = arith.constant 1288 : i32
    %add3A_127 = arith.addi %multiple_of3A, %add3A_126 : i32
    %dma_start3A_128 = arith.constant 0 : i32
    %dma_start3A_129 = tpu.memref_slice %arg2[%add3A_127, %dma_start3A_128] : memref<100000x256xf32, #tpu.memory_space<hbm>> -> memref<184x256xf32, #tpu.memory_space<hbm>>
    %dma_start3A_130 = arith.constant 0 : i32
    %dma_start3A_131 = tpu.memref_slice %arg2[%add3A_127, %dma_start3A_130] : memref<100000x256xf32, #tpu.memory_space<hbm>> -> memref<184x256xf32, #tpu.memory_space<hbm>>
    tpu.enqueue_dma source(%dma_start3A_131 : memref<184x256xf32, #tpu.memory_space<hbm>>) target(%arg5 : memref<184x256xf32, #tpu.memory_space<vmem>>) target_semaphore(%arg7 : memref<!tpu.dma_semaphore, #tpu.memory_space<semaphore_mem>>)
    %dma_wait3A_132 = arith.constant 0 : i32
    %dma_wait3A_133 = tpu.memref_slice %arg2[%add3A_107, %dma_wait3A_132] : memref<100000x256xf32, #tpu.memory_space<hbm>> -> memref<184x256xf32, #tpu.memory_space<hbm>>
    %dma_wait3A_134 = arith.constant 0 : i32
    %dma_wait3A_135 = tpu.memref_slice %arg2[%add3A_107, %dma_wait3A_134] : memref<100000x256xf32, #tpu.memory_space<hbm>> -> memref<184x256xf32, #tpu.memory_space<hbm>>
    tpu.wait_dma2 semaphore(%arg6 : memref<!tpu.dma_semaphore, #tpu.memory_space<semaphore_mem>>) src(%dma_wait3A_135 : memref<184x256xf32, #tpu.memory_space<hbm>>) dst(%arg4 : memref<184x256xf32, #tpu.memory_space<vmem>>)
    %add3A_136 = arith.constant 1104 : i32
    %add3A_137 = arith.addi %multiple_of3A, %add3A_136 : i32
    %dma_start3A_138 = arith.constant 0 : i32
    %dma_start3A_139 = tpu.memref_slice %arg3[%add3A_137, %dma_start3A_138] : memref<100000x256xf32, #tpu.memory_space<hbm>> -> memref<184x256xf32, #tpu.memory_space<hbm>>
    %dma_start3A_140 = arith.constant 0 : i32
    %dma_start3A_141 = tpu.memref_slice %arg3[%add3A_137, %dma_start3A_140] : memref<100000x256xf32, #tpu.memory_space<hbm>> -> memref<184x256xf32, #tpu.memory_space<hbm>>
    tpu.enqueue_dma source(%arg4 : memref<184x256xf32, #tpu.memory_space<vmem>>) target(%dma_start3A_141 : memref<184x256xf32, #tpu.memory_space<hbm>>) target_semaphore(%arg8 : memref<!tpu.dma_semaphore, #tpu.memory_space<semaphore_mem>>)
    %dma_wait3A_142 = arith.constant 0 : i32
    %dma_wait3A_143 = tpu.memref_slice %arg3[%add3A_137, %dma_wait3A_142] : memref<100000x256xf32, #tpu.memory_space<hbm>> -> memref<184x256xf32, #tpu.memory_space<hbm>>
    %dma_wait3A_144 = arith.constant 0 : i32
    %dma_wait3A_145 = tpu.memref_slice %arg3[%add3A_137, %dma_wait3A_144] : memref<100000x256xf32, #tpu.memory_space<hbm>> -> memref<184x256xf32, #tpu.memory_space<hbm>>
    tpu.wait_dma2 semaphore(%arg8 : memref<!tpu.dma_semaphore, #tpu.memory_space<semaphore_mem>>) src(%arg4 : memref<184x256xf32, #tpu.memory_space<vmem>>) dst(%dma_wait3A_145 : memref<184x256xf32, #tpu.memory_space<hbm>>)
    %add3A_146 = arith.constant 1472 : i32
    %add3A_147 = arith.addi %multiple_of3A, %add3A_146 : i32
    %dma_start3A_148 = arith.constant 0 : i32
    %dma_start3A_149 = tpu.memref_slice %arg2[%add3A_147, %dma_start3A_148] : memref<100000x256xf32, #tpu.memory_space<hbm>> -> memref<184x256xf32, #tpu.memory_space<hbm>>
    %dma_start3A_150 = arith.constant 0 : i32
    %dma_start3A_151 = tpu.memref_slice %arg2[%add3A_147, %dma_start3A_150] : memref<100000x256xf32, #tpu.memory_space<hbm>> -> memref<184x256xf32, #tpu.memory_space<hbm>>
    tpu.enqueue_dma source(%dma_start3A_151 : memref<184x256xf32, #tpu.memory_space<hbm>>) target(%arg4 : memref<184x256xf32, #tpu.memory_space<vmem>>) target_semaphore(%arg6 : memref<!tpu.dma_semaphore, #tpu.memory_space<semaphore_mem>>)
    %dma_wait3A_152 = arith.constant 0 : i32
    %dma_wait3A_153 = tpu.memref_slice %arg2[%add3A_127, %dma_wait3A_152] : memref<100000x256xf32, #tpu.memory_space<hbm>> -> memref<184x256xf32, #tpu.memory_space<hbm>>
    %dma_wait3A_154 = arith.constant 0 : i32
    %dma_wait3A_155 = tpu.memref_slice %arg2[%add3A_127, %dma_wait3A_154] : memref<100000x256xf32, #tpu.memory_space<hbm>> -> memref<184x256xf32, #tpu.memory_space<hbm>>
    tpu.wait_dma2 semaphore(%arg7 : memref<!tpu.dma_semaphore, #tpu.memory_space<semaphore_mem>>) src(%dma_wait3A_155 : memref<184x256xf32, #tpu.memory_space<hbm>>) dst(%arg5 : memref<184x256xf32, #tpu.memory_space<vmem>>)
    %add3A_156 = arith.constant 1288 : i32
    %add3A_157 = arith.addi %multiple_of3A, %add3A_156 : i32
    %dma_start3A_158 = arith.constant 0 : i32
    %dma_start3A_159 = tpu.memref_slice %arg3[%add3A_157, %dma_start3A_158] : memref<100000x256xf32, #tpu.memory_space<hbm>> -> memref<184x256xf32, #tpu.memory_space<hbm>>
    %dma_start3A_160 = arith.constant 0 : i32
    %dma_start3A_161 = tpu.memref_slice %arg3[%add3A_157, %dma_start3A_160] : memref<100000x256xf32, #tpu.memory_space<hbm>> -> memref<184x256xf32, #tpu.memory_space<hbm>>
    tpu.enqueue_dma source(%arg5 : memref<184x256xf32, #tpu.memory_space<vmem>>) target(%dma_start3A_161 : memref<184x256xf32, #tpu.memory_space<hbm>>) target_semaphore(%arg9 : memref<!tpu.dma_semaphore, #tpu.memory_space<semaphore_mem>>)
    %dma_wait3A_162 = arith.constant 0 : i32
    %dma_wait3A_163 = tpu.memref_slice %arg3[%add3A_157, %dma_wait3A_162] : memref<100000x256xf32, #tpu.memory_space<hbm>> -> memref<184x256xf32, #tpu.memory_space<hbm>>
    %dma_wait3A_164 = arith.constant 0 : i32
    %dma_wait3A_165 = tpu.memref_slice %arg3[%add3A_157, %dma_wait3A_164] : memref<100000x256xf32, #tpu.memory_space<hbm>> -> memref<184x256xf32, #tpu.memory_space<hbm>>
    tpu.wait_dma2 semaphore(%arg9 : memref<!tpu.dma_semaphore, #tpu.memory_space<semaphore_mem>>) src(%arg5 : memref<184x256xf32, #tpu.memory_space<vmem>>) dst(%dma_wait3A_165 : memref<184x256xf32, #tpu.memory_space<hbm>>)
    %add3A_166 = arith.constant 1656 : i32
    %add3A_167 = arith.addi %multiple_of3A, %add3A_166 : i32
    %dma_start3A_168 = arith.constant 0 : i32
    %dma_start3A_169 = tpu.memref_slice %arg2[%add3A_167, %dma_start3A_168] : memref<100000x256xf32, #tpu.memory_space<hbm>> -> memref<184x256xf32, #tpu.memory_space<hbm>>
    %dma_start3A_170 = arith.constant 0 : i32
    %dma_start3A_171 = tpu.memref_slice %arg2[%add3A_167, %dma_start3A_170] : memref<100000x256xf32, #tpu.memory_space<hbm>> -> memref<184x256xf32, #tpu.memory_space<hbm>>
    tpu.enqueue_dma source(%dma_start3A_171 : memref<184x256xf32, #tpu.memory_space<hbm>>) target(%arg5 : memref<184x256xf32, #tpu.memory_space<vmem>>) target_semaphore(%arg7 : memref<!tpu.dma_semaphore, #tpu.memory_space<semaphore_mem>>)
    %dma_wait3A_172 = arith.constant 0 : i32
    %dma_wait3A_173 = tpu.memref_slice %arg2[%add3A_147, %dma_wait3A_172] : memref<100000x256xf32, #tpu.memory_space<hbm>> -> memref<184x256xf32, #tpu.memory_space<hbm>>
    %dma_wait3A_174 = arith.constant 0 : i32
    %dma_wait3A_175 = tpu.memref_slice %arg2[%add3A_147, %dma_wait3A_174] : memref<100000x256xf32, #tpu.memory_space<hbm>> -> memref<184x256xf32, #tpu.memory_space<hbm>>
    tpu.wait_dma2 semaphore(%arg6 : memref<!tpu.dma_semaphore, #tpu.memory_space<semaphore_mem>>) src(%dma_wait3A_175 : memref<184x256xf32, #tpu.memory_space<hbm>>) dst(%arg4 : memref<184x256xf32, #tpu.memory_space<vmem>>)
    %add3A_176 = arith.constant 1472 : i32
    %add3A_177 = arith.addi %multiple_of3A, %add3A_176 : i32
    %dma_start3A_178 = arith.constant 0 : i32
    %dma_start3A_179 = tpu.memref_slice %arg3[%add3A_177, %dma_start3A_178] : memref<100000x256xf32, #tpu.memory_space<hbm>> -> memref<184x256xf32, #tpu.memory_space<hbm>>
    %dma_start3A_180 = arith.constant 0 : i32
    %dma_start3A_181 = tpu.memref_slice %arg3[%add3A_177, %dma_start3A_180] : memref<100000x256xf32, #tpu.memory_space<hbm>> -> memref<184x256xf32, #tpu.memory_space<hbm>>
    tpu.enqueue_dma source(%arg4 : memref<184x256xf32, #tpu.memory_space<vmem>>) target(%dma_start3A_181 : memref<184x256xf32, #tpu.memory_space<hbm>>) target_semaphore(%arg8 : memref<!tpu.dma_semaphore, #tpu.memory_space<semaphore_mem>>)
    %dma_wait3A_182 = arith.constant 0 : i32
    %dma_wait3A_183 = tpu.memref_slice %arg3[%add3A_177, %dma_wait3A_182] : memref<100000x256xf32, #tpu.memory_space<hbm>> -> memref<184x256xf32, #tpu.memory_space<hbm>>
    %dma_wait3A_184 = arith.constant 0 : i32
    %dma_wait3A_185 = tpu.memref_slice %arg3[%add3A_177, %dma_wait3A_184] : memref<100000x256xf32, #tpu.memory_space<hbm>> -> memref<184x256xf32, #tpu.memory_space<hbm>>
    tpu.wait_dma2 semaphore(%arg8 : memref<!tpu.dma_semaphore, #tpu.memory_space<semaphore_mem>>) src(%arg4 : memref<184x256xf32, #tpu.memory_space<vmem>>) dst(%dma_wait3A_185 : memref<184x256xf32, #tpu.memory_space<hbm>>)
    %add3A_186 = arith.constant 1840 : i32
    %add3A_187 = arith.addi %multiple_of3A, %add3A_186 : i32
    %dma_start3A_188 = arith.constant 0 : i32
    %dma_start3A_189 = tpu.memref_slice %arg2[%add3A_187, %dma_start3A_188] : memref<100000x256xf32, #tpu.memory_space<hbm>> -> memref<184x256xf32, #tpu.memory_space<hbm>>
    %dma_start3A_190 = arith.constant 0 : i32
    %dma_start3A_191 = tpu.memref_slice %arg2[%add3A_187, %dma_start3A_190] : memref<100000x256xf32, #tpu.memory_space<hbm>> -> memref<184x256xf32, #tpu.memory_space<hbm>>
    tpu.enqueue_dma source(%dma_start3A_191 : memref<184x256xf32, #tpu.memory_space<hbm>>) target(%arg4 : memref<184x256xf32, #tpu.memory_space<vmem>>) target_semaphore(%arg6 : memref<!tpu.dma_semaphore, #tpu.memory_space<semaphore_mem>>)
    %dma_wait3A_192 = arith.constant 0 : i32
    %dma_wait3A_193 = tpu.memref_slice %arg2[%add3A_167, %dma_wait3A_192] : memref<100000x256xf32, #tpu.memory_space<hbm>> -> memref<184x256xf32, #tpu.memory_space<hbm>>
    %dma_wait3A_194 = arith.constant 0 : i32
    %dma_wait3A_195 = tpu.memref_slice %arg2[%add3A_167, %dma_wait3A_194] : memref<100000x256xf32, #tpu.memory_space<hbm>> -> memref<184x256xf32, #tpu.memory_space<hbm>>
    tpu.wait_dma2 semaphore(%arg7 : memref<!tpu.dma_semaphore, #tpu.memory_space<semaphore_mem>>) src(%dma_wait3A_195 : memref<184x256xf32, #tpu.memory_space<hbm>>) dst(%arg5 : memref<184x256xf32, #tpu.memory_space<vmem>>)
    %add3A_196 = arith.constant 1656 : i32
    %add3A_197 = arith.addi %multiple_of3A, %add3A_196 : i32
    %dma_start3A_198 = arith.constant 0 : i32
    %dma_start3A_199 = tpu.memref_slice %arg3[%add3A_197, %dma_start3A_198] : memref<100000x256xf32, #tpu.memory_space<hbm>> -> memref<184x256xf32, #tpu.memory_space<hbm>>
    %dma_start3A_200 = arith.constant 0 : i32
    %dma_start3A_201 = tpu.memref_slice %arg3[%add3A_197, %dma_start3A_200] : memref<100000x256xf32, #tpu.memory_space<hbm>> -> memref<184x256xf32, #tpu.memory_space<hbm>>
    tpu.enqueue_dma source(%arg5 : memref<184x256xf32, #tpu.memory_space<vmem>>) target(%dma_start3A_201 : memref<184x256xf32, #tpu.memory_space<hbm>>) target_semaphore(%arg9 : memref<!tpu.dma_semaphore, #tpu.memory_space<semaphore_mem>>)
    %dma_wait3A_202 = arith.constant 0 : i32
    %dma_wait3A_203 = tpu.memref_slice %arg3[%add3A_197, %dma_wait3A_202] : memref<100000x256xf32, #tpu.memory_space<hbm>> -> memref<184x256xf32, #tpu.memory_space<hbm>>
    %dma_wait3A_204 = arith.constant 0 : i32
    %dma_wait3A_205 = tpu.memref_slice %arg3[%add3A_197, %dma_wait3A_204] : memref<100000x256xf32, #tpu.memory_space<hbm>> -> memref<184x256xf32, #tpu.memory_space<hbm>>
    tpu.wait_dma2 semaphore(%arg9 : memref<!tpu.dma_semaphore, #tpu.memory_space<semaphore_mem>>) src(%arg5 : memref<184x256xf32, #tpu.memory_space<vmem>>) dst(%dma_wait3A_205 : memref<184x256xf32, #tpu.memory_space<hbm>>)
    %add3A_206 = arith.constant 2024 : i32
    %add3A_207 = arith.addi %multiple_of3A, %add3A_206 : i32
    %dma_start3A_208 = arith.constant 0 : i32
    %dma_start3A_209 = tpu.memref_slice %arg2[%add3A_207, %dma_start3A_208] : memref<100000x256xf32, #tpu.memory_space<hbm>> -> memref<184x256xf32, #tpu.memory_space<hbm>>
    %dma_start3A_210 = arith.constant 0 : i32
    %dma_start3A_211 = tpu.memref_slice %arg2[%add3A_207, %dma_start3A_210] : memref<100000x256xf32, #tpu.memory_space<hbm>> -> memref<184x256xf32, #tpu.memory_space<hbm>>
    tpu.enqueue_dma source(%dma_start3A_211 : memref<184x256xf32, #tpu.memory_space<hbm>>) target(%arg5 : memref<184x256xf32, #tpu.memory_space<vmem>>) target_semaphore(%arg7 : memref<!tpu.dma_semaphore, #tpu.memory_space<semaphore_mem>>)
    %dma_wait3A_212 = arith.constant 0 : i32
    %dma_wait3A_213 = tpu.memref_slice %arg2[%add3A_187, %dma_wait3A_212] : memref<100000x256xf32, #tpu.memory_space<hbm>> -> memref<184x256xf32, #tpu.memory_space<hbm>>
    %dma_wait3A_214 = arith.constant 0 : i32
    %dma_wait3A_215 = tpu.memref_slice %arg2[%add3A_187, %dma_wait3A_214] : memref<100000x256xf32, #tpu.memory_space<hbm>> -> memref<184x256xf32, #tpu.memory_space<hbm>>
    tpu.wait_dma2 semaphore(%arg6 : memref<!tpu.dma_semaphore, #tpu.memory_space<semaphore_mem>>) src(%dma_wait3A_215 : memref<184x256xf32, #tpu.memory_space<hbm>>) dst(%arg4 : memref<184x256xf32, #tpu.memory_space<vmem>>)
    %add3A_216 = arith.constant 1840 : i32
    %add3A_217 = arith.addi %multiple_of3A, %add3A_216 : i32
    %dma_start3A_218 = arith.constant 0 : i32
    %dma_start3A_219 = tpu.memref_slice %arg3[%add3A_217, %dma_start3A_218] : memref<100000x256xf32, #tpu.memory_space<hbm>> -> memref<184x256xf32, #tpu.memory_space<hbm>>
    %dma_start3A_220 = arith.constant 0 : i32
    %dma_start3A_221 = tpu.memref_slice %arg3[%add3A_217, %dma_start3A_220] : memref<100000x256xf32, #tpu.memory_space<hbm>> -> memref<184x256xf32, #tpu.memory_space<hbm>>
    tpu.enqueue_dma source(%arg4 : memref<184x256xf32, #tpu.memory_space<vmem>>) target(%dma_start3A_221 : memref<184x256xf32, #tpu.memory_space<hbm>>) target_semaphore(%arg8 : memref<!tpu.dma_semaphore, #tpu.memory_space<semaphore_mem>>)
    %dma_wait3A_222 = arith.constant 0 : i32
    %dma_wait3A_223 = tpu.memref_slice %arg3[%add3A_217, %dma_wait3A_222] : memref<100000x256xf32, #tpu.memory_space<hbm>> -> memref<184x256xf32, #tpu.memory_space<hbm>>
    %dma_wait3A_224 = arith.constant 0 : i32
    %dma_wait3A_225 = tpu.memref_slice %arg3[%add3A_217, %dma_wait3A_224] : memref<100000x256xf32, #tpu.memory_space<hbm>> -> memref<184x256xf32, #tpu.memory_space<hbm>>
    tpu.wait_dma2 semaphore(%arg8 : memref<!tpu.dma_semaphore, #tpu.memory_space<semaphore_mem>>) src(%arg4 : memref<184x256xf32, #tpu.memory_space<vmem>>) dst(%dma_wait3A_225 : memref<184x256xf32, #tpu.memory_space<hbm>>)
    %add3A_226 = arith.constant 2208 : i32
    %add3A_227 = arith.addi %multiple_of3A, %add3A_226 : i32
    %dma_start3A_228 = arith.constant 0 : i32
    %dma_start3A_229 = tpu.memref_slice %arg2[%add3A_227, %dma_start3A_228] : memref<100000x256xf32, #tpu.memory_space<hbm>> -> memref<184x256xf32, #tpu.memory_space<hbm>>
    %dma_start3A_230 = arith.constant 0 : i32
    %dma_start3A_231 = tpu.memref_slice %arg2[%add3A_227, %dma_start3A_230] : memref<100000x256xf32, #tpu.memory_space<hbm>> -> memref<184x256xf32, #tpu.memory_space<hbm>>
    tpu.enqueue_dma source(%dma_start3A_231 : memref<184x256xf32, #tpu.memory_space<hbm>>) target(%arg4 : memref<184x256xf32, #tpu.memory_space<vmem>>) target_semaphore(%arg6 : memref<!tpu.dma_semaphore, #tpu.memory_space<semaphore_mem>>)
    %dma_wait3A_232 = arith.constant 0 : i32
    %dma_wait3A_233 = tpu.memref_slice %arg2[%add3A_207, %dma_wait3A_232] : memref<100000x256xf32, #tpu.memory_space<hbm>> -> memref<184x256xf32, #tpu.memory_space<hbm>>
    %dma_wait3A_234 = arith.constant 0 : i32
    %dma_wait3A_235 = tpu.memref_slice %arg2[%add3A_207, %dma_wait3A_234] : memref<100000x256xf32, #tpu.memory_space<hbm>> -> memref<184x256xf32, #tpu.memory_space<hbm>>
    tpu.wait_dma2 semaphore(%arg7 : memref<!tpu.dma_semaphore, #tpu.memory_space<semaphore_mem>>) src(%dma_wait3A_235 : memref<184x256xf32, #tpu.memory_space<hbm>>) dst(%arg5 : memref<184x256xf32, #tpu.memory_space<vmem>>)
    %add3A_236 = arith.constant 2024 : i32
    %add3A_237 = arith.addi %multiple_of3A, %add3A_236 : i32
    %dma_start3A_238 = arith.constant 0 : i32
    %dma_start3A_239 = tpu.memref_slice %arg3[%add3A_237, %dma_start3A_238] : memref<100000x256xf32, #tpu.memory_space<hbm>> -> memref<184x256xf32, #tpu.memory_space<hbm>>
    %dma_start3A_240 = arith.constant 0 : i32
    %dma_start3A_241 = tpu.memref_slice %arg3[%add3A_237, %dma_start3A_240] : memref<100000x256xf32, #tpu.memory_space<hbm>> -> memref<184x256xf32, #tpu.memory_space<hbm>>
    tpu.enqueue_dma source(%arg5 : memref<184x256xf32, #tpu.memory_space<vmem>>) target(%dma_start3A_241 : memref<184x256xf32, #tpu.memory_space<hbm>>) target_semaphore(%arg9 : memref<!tpu.dma_semaphore, #tpu.memory_space<semaphore_mem>>)
    %dma_wait3A_242 = arith.constant 0 : i32
    %dma_wait3A_243 = tpu.memref_slice %arg3[%add3A_237, %dma_wait3A_242] : memref<100000x256xf32, #tpu.memory_space<hbm>> -> memref<184x256xf32, #tpu.memory_space<hbm>>
    %dma_wait3A_244 = arith.constant 0 : i32
    %dma_wait3A_245 = tpu.memref_slice %arg3[%add3A_237, %dma_wait3A_244] : memref<100000x256xf32, #tpu.memory_space<hbm>> -> memref<184x256xf32, #tpu.memory_space<hbm>>
    tpu.wait_dma2 semaphore(%arg9 : memref<!tpu.dma_semaphore, #tpu.memory_space<semaphore_mem>>) src(%arg5 : memref<184x256xf32, #tpu.memory_space<vmem>>) dst(%dma_wait3A_245 : memref<184x256xf32, #tpu.memory_space<hbm>>)
    %add3A_246 = arith.constant 2392 : i32
    %add3A_247 = arith.addi %multiple_of3A, %add3A_246 : i32
    %dma_start3A_248 = arith.constant 0 : i32
    %dma_start3A_249 = tpu.memref_slice %arg2[%add3A_247, %dma_start3A_248] : memref<100000x256xf32, #tpu.memory_space<hbm>> -> memref<184x256xf32, #tpu.memory_space<hbm>>
    %dma_start3A_250 = arith.constant 0 : i32
    %dma_start3A_251 = tpu.memref_slice %arg2[%add3A_247, %dma_start3A_250] : memref<100000x256xf32, #tpu.memory_space<hbm>> -> memref<184x256xf32, #tpu.memory_space<hbm>>
    tpu.enqueue_dma source(%dma_start3A_251 : memref<184x256xf32, #tpu.memory_space<hbm>>) target(%arg5 : memref<184x256xf32, #tpu.memory_space<vmem>>) target_semaphore(%arg7 : memref<!tpu.dma_semaphore, #tpu.memory_space<semaphore_mem>>)
    %dma_wait3A_252 = arith.constant 0 : i32
    %dma_wait3A_253 = tpu.memref_slice %arg2[%add3A_227, %dma_wait3A_252] : memref<100000x256xf32, #tpu.memory_space<hbm>> -> memref<184x256xf32, #tpu.memory_space<hbm>>
    %dma_wait3A_254 = arith.constant 0 : i32
    %dma_wait3A_255 = tpu.memref_slice %arg2[%add3A_227, %dma_wait3A_254] : memref<100000x256xf32, #tpu.memory_space<hbm>> -> memref<184x256xf32, #tpu.memory_space<hbm>>
    tpu.wait_dma2 semaphore(%arg6 : memref<!tpu.dma_semaphore, #tpu.memory_space<semaphore_mem>>) src(%dma_wait3A_255 : memref<184x256xf32, #tpu.memory_space<hbm>>) dst(%arg4 : memref<184x256xf32, #tpu.memory_space<vmem>>)
    %add3A_256 = arith.constant 2208 : i32
    %add3A_257 = arith.addi %multiple_of3A, %add3A_256 : i32
    %dma_start3A_258 = arith.constant 0 : i32
    %dma_start3A_259 = tpu.memref_slice %arg3[%add3A_257, %dma_start3A_258] : memref<100000x256xf32, #tpu.memory_space<hbm>> -> memref<184x256xf32, #tpu.memory_space<hbm>>
    %dma_start3A_260 = arith.constant 0 : i32
    %dma_start3A_261 = tpu.memref_slice %arg3[%add3A_257, %dma_start3A_260] : memref<100000x256xf32, #tpu.memory_space<hbm>> -> memref<184x256xf32, #tpu.memory_space<hbm>>
    tpu.enqueue_dma source(%arg4 : memref<184x256xf32, #tpu.memory_space<vmem>>) target(%dma_start3A_261 : memref<184x256xf32, #tpu.memory_space<hbm>>) target_semaphore(%arg8 : memref<!tpu.dma_semaphore, #tpu.memory_space<semaphore_mem>>)
    %dma_wait3A_262 = arith.constant 0 : i32
    %dma_wait3A_263 = tpu.memref_slice %arg3[%add3A_257, %dma_wait3A_262] : memref<100000x256xf32, #tpu.memory_space<hbm>> -> memref<184x256xf32, #tpu.memory_space<hbm>>
    %dma_wait3A_264 = arith.constant 0 : i32
    %dma_wait3A_265 = tpu.memref_slice %arg3[%add3A_257, %dma_wait3A_264] : memref<100000x256xf32, #tpu.memory_space<hbm>> -> memref<184x256xf32, #tpu.memory_space<hbm>>
    tpu.wait_dma2 semaphore(%arg8 : memref<!tpu.dma_semaphore, #tpu.memory_space<semaphore_mem>>) src(%arg4 : memref<184x256xf32, #tpu.memory_space<vmem>>) dst(%dma_wait3A_265 : memref<184x256xf32, #tpu.memory_space<hbm>>)
    %add3A_266 = arith.constant 2576 : i32
    %add3A_267 = arith.addi %multiple_of3A, %add3A_266 : i32
    %dma_start3A_268 = arith.constant 0 : i32
    %dma_start3A_269 = tpu.memref_slice %arg2[%add3A_267, %dma_start3A_268] : memref<100000x256xf32, #tpu.memory_space<hbm>> -> memref<184x256xf32, #tpu.memory_space<hbm>>
    %dma_start3A_270 = arith.constant 0 : i32
    %dma_start3A_271 = tpu.memref_slice %arg2[%add3A_267, %dma_start3A_270] : memref<100000x256xf32, #tpu.memory_space<hbm>> -> memref<184x256xf32, #tpu.memory_space<hbm>>
    tpu.enqueue_dma source(%dma_start3A_271 : memref<184x256xf32, #tpu.memory_space<hbm>>) target(%arg4 : memref<184x256xf32, #tpu.memory_space<vmem>>) target_semaphore(%arg6 : memref<!tpu.dma_semaphore, #tpu.memory_space<semaphore_mem>>)
    %dma_wait3A_272 = arith.constant 0 : i32
    %dma_wait3A_273 = tpu.memref_slice %arg2[%add3A_247, %dma_wait3A_272] : memref<100000x256xf32, #tpu.memory_space<hbm>> -> memref<184x256xf32, #tpu.memory_space<hbm>>
    %dma_wait3A_274 = arith.constant 0 : i32
    %dma_wait3A_275 = tpu.memref_slice %arg2[%add3A_247, %dma_wait3A_274] : memref<100000x256xf32, #tpu.memory_space<hbm>> -> memref<184x256xf32, #tpu.memory_space<hbm>>
    tpu.wait_dma2 semaphore(%arg7 : memref<!tpu.dma_semaphore, #tpu.memory_space<semaphore_mem>>) src(%dma_wait3A_275 : memref<184x256xf32, #tpu.memory_space<hbm>>) dst(%arg5 : memref<184x256xf32, #tpu.memory_space<vmem>>)
    %add3A_276 = arith.constant 2392 : i32
    %add3A_277 = arith.addi %multiple_of3A, %add3A_276 : i32
    %dma_start3A_278 = arith.constant 0 : i32
    %dma_start3A_279 = tpu.memref_slice %arg3[%add3A_277, %dma_start3A_278] : memref<100000x256xf32, #tpu.memory_space<hbm>> -> memref<184x256xf32, #tpu.memory_space<hbm>>
    %dma_start3A_280 = arith.constant 0 : i32
    %dma_start3A_281 = tpu.memref_slice %arg3[%add3A_277, %dma_start3A_280] : memref<100000x256xf32, #tpu.memory_space<hbm>> -> memref<184x256xf32, #tpu.memory_space<hbm>>
    tpu.enqueue_dma source(%arg5 : memref<184x256xf32, #tpu.memory_space<vmem>>) target(%dma_start3A_281 : memref<184x256xf32, #tpu.memory_space<hbm>>) target_semaphore(%arg9 : memref<!tpu.dma_semaphore, #tpu.memory_space<semaphore_mem>>)
    %dma_wait3A_282 = arith.constant 0 : i32
    %dma_wait3A_283 = tpu.memref_slice %arg3[%add3A_277, %dma_wait3A_282] : memref<100000x256xf32, #tpu.memory_space<hbm>> -> memref<184x256xf32, #tpu.memory_space<hbm>>
    %dma_wait3A_284 = arith.constant 0 : i32
    %dma_wait3A_285 = tpu.memref_slice %arg3[%add3A_277, %dma_wait3A_284] : memref<100000x256xf32, #tpu.memory_space<hbm>> -> memref<184x256xf32, #tpu.memory_space<hbm>>
    tpu.wait_dma2 semaphore(%arg9 : memref<!tpu.dma_semaphore, #tpu.memory_space<semaphore_mem>>) src(%arg5 : memref<184x256xf32, #tpu.memory_space<vmem>>) dst(%dma_wait3A_285 : memref<184x256xf32, #tpu.memory_space<hbm>>)
    %add3A_286 = arith.constant 2760 : i32
    %add3A_287 = arith.addi %multiple_of3A, %add3A_286 : i32
    %dma_start3A_288 = arith.constant 0 : i32
    %dma_start3A_289 = tpu.memref_slice %arg2[%add3A_287, %dma_start3A_288] : memref<100000x256xf32, #tpu.memory_space<hbm>> -> memref<184x256xf32, #tpu.memory_space<hbm>>
    %dma_start3A_290 = arith.constant 0 : i32
    %dma_start3A_291 = tpu.memref_slice %arg2[%add3A_287, %dma_start3A_290] : memref<100000x256xf32, #tpu.memory_space<hbm>> -> memref<184x256xf32, #tpu.memory_space<hbm>>
    tpu.enqueue_dma source(%dma_start3A_291 : memref<184x256xf32, #tpu.memory_space<hbm>>) target(%arg5 : memref<184x256xf32, #tpu.memory_space<vmem>>) target_semaphore(%arg7 : memref<!tpu.dma_semaphore, #tpu.memory_space<semaphore_mem>>)
    %dma_wait3A_292 = arith.constant 0 : i32
    %dma_wait3A_293 = tpu.memref_slice %arg2[%add3A_267, %dma_wait3A_292] : memref<100000x256xf32, #tpu.memory_space<hbm>> -> memref<184x256xf32, #tpu.memory_space<hbm>>
    %dma_wait3A_294 = arith.constant 0 : i32
    %dma_wait3A_295 = tpu.memref_slice %arg2[%add3A_267, %dma_wait3A_294] : memref<100000x256xf32, #tpu.memory_space<hbm>> -> memref<184x256xf32, #tpu.memory_space<hbm>>
    tpu.wait_dma2 semaphore(%arg6 : memref<!tpu.dma_semaphore, #tpu.memory_space<semaphore_mem>>) src(%dma_wait3A_295 : memref<184x256xf32, #tpu.memory_space<hbm>>) dst(%arg4 : memref<184x256xf32, #tpu.memory_space<vmem>>)
    %add3A_296 = arith.constant 2576 : i32
    %add3A_297 = arith.addi %multiple_of3A, %add3A_296 : i32
    %dma_start3A_298 = arith.constant 0 : i32
    %dma_start3A_299 = tpu.memref_slice %arg3[%add3A_297, %dma_start3A_298] : memref<100000x256xf32, #tpu.memory_space<hbm>> -> memref<184x256xf32, #tpu.memory_space<hbm>>
    %dma_start3A_300 = arith.constant 0 : i32
    %dma_start3A_301 = tpu.memref_slice %arg3[%add3A_297, %dma_start3A_300] : memref<100000x256xf32, #tpu.memory_space<hbm>> -> memref<184x256xf32, #tpu.memory_space<hbm>>
    tpu.enqueue_dma source(%arg4 : memref<184x256xf32, #tpu.memory_space<vmem>>) target(%dma_start3A_301 : memref<184x256xf32, #tpu.memory_space<hbm>>) target_semaphore(%arg8 : memref<!tpu.dma_semaphore, #tpu.memory_space<semaphore_mem>>)
    %dma_wait3A_302 = arith.constant 0 : i32
    %dma_wait3A_303 = tpu.memref_slice %arg3[%add3A_297, %dma_wait3A_302] : memref<100000x256xf32, #tpu.memory_space<hbm>> -> memref<184x256xf32, #tpu.memory_space<hbm>>
    %dma_wait3A_304 = arith.constant 0 : i32
    %dma_wait3A_305 = tpu.memref_slice %arg3[%add3A_297, %dma_wait3A_304] : memref<100000x256xf32, #tpu.memory_space<hbm>> -> memref<184x256xf32, #tpu.memory_space<hbm>>
    tpu.wait_dma2 semaphore(%arg8 : memref<!tpu.dma_semaphore, #tpu.memory_space<semaphore_mem>>) src(%arg4 : memref<184x256xf32, #tpu.memory_space<vmem>>) dst(%dma_wait3A_305 : memref<184x256xf32, #tpu.memory_space<hbm>>)
    %add3A_306 = arith.constant 2944 : i32
    %add3A_307 = arith.addi %multiple_of3A, %add3A_306 : i32
    %dma_start3A_308 = arith.constant 0 : i32
    %dma_start3A_309 = tpu.memref_slice %arg2[%add3A_307, %dma_start3A_308] : memref<100000x256xf32, #tpu.memory_space<hbm>> -> memref<184x256xf32, #tpu.memory_space<hbm>>
    %dma_start3A_310 = arith.constant 0 : i32
    %dma_start3A_311 = tpu.memref_slice %arg2[%add3A_307, %dma_start3A_310] : memref<100000x256xf32, #tpu.memory_space<hbm>> -> memref<184x256xf32, #tpu.memory_space<hbm>>
    tpu.enqueue_dma source(%dma_start3A_311 : memref<184x256xf32, #tpu.memory_space<hbm>>) target(%arg4 : memref<184x256xf32, #tpu.memory_space<vmem>>) target_semaphore(%arg6 : memref<!tpu.dma_semaphore, #tpu.memory_space<semaphore_mem>>)
    %dma_wait3A_312 = arith.constant 0 : i32
    %dma_wait3A_313 = tpu.memref_slice %arg2[%add3A_287, %dma_wait3A_312] : memref<100000x256xf32, #tpu.memory_space<hbm>> -> memref<184x256xf32, #tpu.memory_space<hbm>>
    %dma_wait3A_314 = arith.constant 0 : i32
    %dma_wait3A_315 = tpu.memref_slice %arg2[%add3A_287, %dma_wait3A_314] : memref<100000x256xf32, #tpu.memory_space<hbm>> -> memref<184x256xf32, #tpu.memory_space<hbm>>
    tpu.wait_dma2 semaphore(%arg7 : memref<!tpu.dma_semaphore, #tpu.memory_space<semaphore_mem>>) src(%dma_wait3A_315 : memref<184x256xf32, #tpu.memory_space<hbm>>) dst(%arg5 : memref<184x256xf32, #tpu.memory_space<vmem>>)
    %add3A_316 = arith.constant 2760 : i32
    %add3A_317 = arith.addi %multiple_of3A, %add3A_316 : i32
    %dma_start3A_318 = arith.constant 0 : i32
    %dma_start3A_319 = tpu.memref_slice %arg3[%add3A_317, %dma_start3A_318] : memref<100000x256xf32, #tpu.memory_space<hbm>> -> memref<184x256xf32, #tpu.memory_space<hbm>>
    %dma_start3A_320 = arith.constant 0 : i32
    %dma_start3A_321 = tpu.memref_slice %arg3[%add3A_317, %dma_start3A_320] : memref<100000x256xf32, #tpu.memory_space<hbm>> -> memref<184x256xf32, #tpu.memory_space<hbm>>
    tpu.enqueue_dma source(%arg5 : memref<184x256xf32, #tpu.memory_space<vmem>>) target(%dma_start3A_321 : memref<184x256xf32, #tpu.memory_space<hbm>>) target_semaphore(%arg9 : memref<!tpu.dma_semaphore, #tpu.memory_space<semaphore_mem>>)
    %dma_wait3A_322 = arith.constant 0 : i32
    %dma_wait3A_323 = tpu.memref_slice %arg2[%add3A_307, %dma_wait3A_322] : memref<100000x256xf32, #tpu.memory_space<hbm>> -> memref<184x256xf32, #tpu.memory_space<hbm>>
    %dma_wait3A_324 = arith.constant 0 : i32
    %dma_wait3A_325 = tpu.memref_slice %arg2[%add3A_307, %dma_wait3A_324] : memref<100000x256xf32, #tpu.memory_space<hbm>> -> memref<184x256xf32, #tpu.memory_space<hbm>>
    tpu.wait_dma2 semaphore(%arg6 : memref<!tpu.dma_semaphore, #tpu.memory_space<semaphore_mem>>) src(%dma_wait3A_325 : memref<184x256xf32, #tpu.memory_space<hbm>>) dst(%arg4 : memref<184x256xf32, #tpu.memory_space<vmem>>)
    %add3A_326 = arith.constant 2944 : i32
    %add3A_327 = arith.addi %multiple_of3A, %add3A_326 : i32
    %dma_start3A_328 = arith.constant 0 : i32
    %dma_start3A_329 = tpu.memref_slice %arg3[%add3A_327, %dma_start3A_328] : memref<100000x256xf32, #tpu.memory_space<hbm>> -> memref<184x256xf32, #tpu.memory_space<hbm>>
    %dma_start3A_330 = arith.constant 0 : i32
    %dma_start3A_331 = tpu.memref_slice %arg3[%add3A_327, %dma_start3A_330] : memref<100000x256xf32, #tpu.memory_space<hbm>> -> memref<184x256xf32, #tpu.memory_space<hbm>>
    tpu.enqueue_dma source(%arg4 : memref<184x256xf32, #tpu.memory_space<vmem>>) target(%dma_start3A_331 : memref<184x256xf32, #tpu.memory_space<hbm>>) target_semaphore(%arg8 : memref<!tpu.dma_semaphore, #tpu.memory_space<semaphore_mem>>)
    %dma_wait3A_332 = arith.constant 0 : i32
    %dma_wait3A_333 = tpu.memref_slice %arg3[%add3A_327, %dma_wait3A_332] : memref<100000x256xf32, #tpu.memory_space<hbm>> -> memref<184x256xf32, #tpu.memory_space<hbm>>
    %dma_wait3A_334 = arith.constant 0 : i32
    %dma_wait3A_335 = tpu.memref_slice %arg3[%add3A_327, %dma_wait3A_334] : memref<100000x256xf32, #tpu.memory_space<hbm>> -> memref<184x256xf32, #tpu.memory_space<hbm>>
    tpu.wait_dma2 semaphore(%arg8 : memref<!tpu.dma_semaphore, #tpu.memory_space<semaphore_mem>>) src(%arg4 : memref<184x256xf32, #tpu.memory_space<vmem>>) dst(%dma_wait3A_335 : memref<184x256xf32, #tpu.memory_space<hbm>>)
    %dma_wait3A_336 = arith.constant 0 : i32
    %dma_wait3A_337 = tpu.memref_slice %arg3[%add3A_317, %dma_wait3A_336] : memref<100000x256xf32, #tpu.memory_space<hbm>> -> memref<184x256xf32, #tpu.memory_space<hbm>>
    %dma_wait3A_338 = arith.constant 0 : i32
    %dma_wait3A_339 = tpu.memref_slice %arg3[%add3A_317, %dma_wait3A_338] : memref<100000x256xf32, #tpu.memory_space<hbm>> -> memref<184x256xf32, #tpu.memory_space<hbm>>
    tpu.wait_dma2 semaphore(%arg9 : memref<!tpu.dma_semaphore, #tpu.memory_space<semaphore_mem>>) src(%arg5 : memref<184x256xf32, #tpu.memory_space<vmem>>) dst(%dma_wait3A_339 : memref<184x256xf32, #tpu.memory_space<hbm>>)
    return
  }
}

#map = affine_map<(d0, d1) -> (0, 0)>
#map1 = affine_map<(d0, d1) -> (0)>
module attributes {stable_mosaic.version = 14 : i64} {
  func.func @new_body(%arg0: i32, %arg1: i32, %arg2: memref<100000x256xf32, #tpu.memory_space<hbm>>, %arg3: memref<2048xi32, #tpu.memory_space<hbm>>, %arg4: memref<2048x256xf32, #tpu.memory_space<hbm>>, %arg5: memref<100000x256xf32, #tpu.memory_space<hbm>>, %arg6: memref<64xi32, #tpu.memory_space<vmem>>, %arg7: memref<64x256xf32, #tpu.memory_space<vmem>>, %arg8: memref<!tpu.dma_semaphore, #tpu.memory_space<semaphore_mem>>) attributes {dimension_semantics = [#tpu.dimension_semantics<core_parallel>, #tpu.dimension_semantics<subcore_parallel>], iteration_bounds = array<i64: 2, 16>, scalar_prefetch = 0 : i64, scratch_operands = 3 : i64, tpu.core_type = #tpu.core_type<sc_vector_subcore>, window_params = [{transform_indices = #map}, {transform_indices = #map1}, {transform_indices = #map}, {transform_indices = #map}]} {
    %mul3A = arith.constant 2 : i32
    %mul3A_0 = arith.muli %arg1, %mul3A : i32
    %add3A = arith.addi %mul3A_0, %arg0 : i32
    %mul3A_1 = arith.constant 64 : i32
    %mul3A_2 = arith.muli %add3A, %mul3A_1 : i32
    "tpu.region"() ({
      %run_scoped3A = tpu.sem_alloc : memref<!tpu.dma_semaphore, #tpu.memory_space<semaphore_mem>>
      %dma_start3A_7 = tpu.memref_slice %arg3[%mul3A_2] : memref<2048xi32, #tpu.memory_space<hbm>> -> memref<64xi32, #tpu.memory_space<hbm>>
      %dma_start3A_8 = tpu.memref_slice %arg3[%mul3A_2] : memref<2048xi32, #tpu.memory_space<hbm>> -> memref<64xi32, #tpu.memory_space<hbm>>
      tpu.enqueue_dma source(%dma_start3A_8 : memref<64xi32, #tpu.memory_space<hbm>>) target(%arg6 : memref<64xi32, #tpu.memory_space<vmem>>) target_semaphore(%run_scoped3A : memref<!tpu.dma_semaphore, #tpu.memory_space<semaphore_mem>>)
      %dma_wait3A_9 = tpu.memref_slice %arg3[%mul3A_2] : memref<2048xi32, #tpu.memory_space<hbm>> -> memref<64xi32, #tpu.memory_space<hbm>>
      %dma_wait3A_10 = tpu.memref_slice %arg3[%mul3A_2] : memref<2048xi32, #tpu.memory_space<hbm>> -> memref<64xi32, #tpu.memory_space<hbm>>
      tpu.wait_dma2 semaphore(%run_scoped3A : memref<!tpu.dma_semaphore, #tpu.memory_space<semaphore_mem>>) src(%dma_wait3A_10 : memref<64xi32, #tpu.memory_space<hbm>>) dst(%arg6 : memref<64xi32, #tpu.memory_space<vmem>>)
      tpu.yield
    }) : () -> ()
    "tpu.region"() ({
      %run_scoped3A = tpu.sem_alloc : memref<!tpu.dma_semaphore, #tpu.memory_space<semaphore_mem>>
      %dma_start3A_7 = arith.constant 0 : i32
      %dma_start3A_8 = tpu.memref_slice %arg4[%mul3A_2, %dma_start3A_7] : memref<2048x256xf32, #tpu.memory_space<hbm>> -> memref<64x256xf32, #tpu.memory_space<hbm>>
      %dma_start3A_9 = arith.constant 0 : i32
      %dma_start3A_10 = tpu.memref_slice %arg4[%mul3A_2, %dma_start3A_9] : memref<2048x256xf32, #tpu.memory_space<hbm>> -> memref<64x256xf32, #tpu.memory_space<hbm>>
      tpu.enqueue_dma source(%dma_start3A_10 : memref<64x256xf32, #tpu.memory_space<hbm>>) target(%arg7 : memref<64x256xf32, #tpu.memory_space<vmem>>) target_semaphore(%run_scoped3A : memref<!tpu.dma_semaphore, #tpu.memory_space<semaphore_mem>>)
      %dma_wait3A_11 = arith.constant 0 : i32
      %dma_wait3A_12 = tpu.memref_slice %arg4[%mul3A_2, %dma_wait3A_11] : memref<2048x256xf32, #tpu.memory_space<hbm>> -> memref<64x256xf32, #tpu.memory_space<hbm>>
      %dma_wait3A_13 = arith.constant 0 : i32
      %dma_wait3A_14 = tpu.memref_slice %arg4[%mul3A_2, %dma_wait3A_13] : memref<2048x256xf32, #tpu.memory_space<hbm>> -> memref<64x256xf32, #tpu.memory_space<hbm>>
      tpu.wait_dma2 semaphore(%run_scoped3A : memref<!tpu.dma_semaphore, #tpu.memory_space<semaphore_mem>>) src(%dma_wait3A_14 : memref<64x256xf32, #tpu.memory_space<hbm>>) dst(%arg7 : memref<64x256xf32, #tpu.memory_space<vmem>>)
      tpu.yield
    }) : () -> ()
    %dma_start3A = arith.constant 0 : i32
    %dma_start3A_3 = arith.constant 0 : i32
    %dma_start3A_4 = tpu.memref_slice %arg2[%dma_start3A, %dma_start3A_3] : memref<100000x256xf32, #tpu.memory_space<hbm>> -> memref<100000x256xf32, #tpu.memory_space<hbm>>
    tpu.enqueue_indirect_dma source(%arg7 : memref<64x256xf32, #tpu.memory_space<vmem>>) target(%dma_start3A_4 : memref<100000x256xf32, #tpu.memory_space<hbm>>) offsets(%arg6 : memref<64xi32, #tpu.memory_space<vmem>>) semaphore(%arg8 : memref<!tpu.dma_semaphore, #tpu.memory_space<semaphore_mem>>)
    %dma_wait3A = arith.constant 0 : i32
    %dma_wait3A_5 = arith.constant 0 : i32
    %dma_wait3A_6 = tpu.memref_slice %arg2[%dma_wait3A, %dma_wait3A_5] : memref<100000x256xf32, #tpu.memory_space<hbm>> -> memref<100000x256xf32, #tpu.memory_space<hbm>>
    tpu.wait_indirect_dma semaphore(%arg8 : memref<!tpu.dma_semaphore, #tpu.memory_space<semaphore_mem>>) src(%arg7 : memref<64x256xf32, #tpu.memory_space<vmem>>) dst(%dma_wait3A_6 : memref<100000x256xf32, #tpu.memory_space<hbm>>)
    return
  }
}

#map = affine_map<(d0, d1) -> (0, 0)>
#map1 = affine_map<(d0, d1) -> (0)>
module attributes {stable_mosaic.version = 14 : i64} {
  func.func @sc_gather(%arg0: i32, %arg1: i32, %arg2: memref<100000x256xf32, #tpu.memory_space<hbm>>, %arg3: memref<100000x256xf32, #tpu.memory_space<hbm>>, %arg4: memref<2048xi32, #tpu.memory_space<hbm>>, %arg5: memref<2048xi32, #tpu.memory_space<hbm>>, %arg6: memref<2048x256xf32, #tpu.memory_space<hbm>>, %arg7: memref<2048x256xf32, #tpu.memory_space<hbm>>, %arg8: memref<64xi32, #tpu.memory_space<vmem>>, %arg9: memref<64xi32, #tpu.memory_space<vmem>>, %arg10: memref<64x256xf32, #tpu.memory_space<vmem>>, %arg11: memref<64x256xf32, #tpu.memory_space<vmem>>, %arg12: memref<!tpu.dma_semaphore, #tpu.memory_space<semaphore_mem>>, %arg13: memref<!tpu.dma_semaphore, #tpu.memory_space<semaphore_mem>>, %arg14: memref<!tpu.dma_semaphore, #tpu.memory_space<semaphore_mem>>, %arg15: memref<!tpu.dma_semaphore, #tpu.memory_space<semaphore_mem>>) attributes {dimension_semantics = [#tpu.dimension_semantics<core_parallel>, #tpu.dimension_semantics<subcore_parallel>], iteration_bounds = array<i64: 2, 16>, scalar_prefetch = 0 : i64, scratch_operands = 8 : i64, tpu.core_type = #tpu.core_type<sc_vector_subcore>, window_params = [{transform_indices = #map}, {transform_indices = #map}, {transform_indices = #map1}, {transform_indices = #map1}, {transform_indices = #map}, {transform_indices = #map}]} {
    %mul3A = arith.constant 2 : i32
    %mul3A_0 = arith.muli %arg1, %mul3A : i32
    %add3A = arith.addi %mul3A_0, %arg0 : i32
    %mul3A_1 = arith.constant 64 : i32
    %mul3A_2 = arith.muli %add3A, %mul3A_1 : i32
    "tpu.region"() ({
      %run_scoped3A = tpu.sem_alloc : memref<!tpu.dma_semaphore, #tpu.memory_space<semaphore_mem>>
      %dma_start3A_29 = tpu.memref_slice %arg4[%mul3A_2] : memref<2048xi32, #tpu.memory_space<hbm>> -> memref<64xi32, #tpu.memory_space<hbm>>
      %dma_start3A_30 = tpu.memref_slice %arg4[%mul3A_2] : memref<2048xi32, #tpu.memory_space<hbm>> -> memref<64xi32, #tpu.memory_space<hbm>>
      tpu.enqueue_dma source(%dma_start3A_30 : memref<64xi32, #tpu.memory_space<hbm>>) target(%arg8 : memref<64xi32, #tpu.memory_space<vmem>>) target_semaphore(%run_scoped3A : memref<!tpu.dma_semaphore, #tpu.memory_space<semaphore_mem>>)
      %dma_wait3A_31 = tpu.memref_slice %arg4[%mul3A_2] : memref<2048xi32, #tpu.memory_space<hbm>> -> memref<64xi32, #tpu.memory_space<hbm>>
      %dma_wait3A_32 = tpu.memref_slice %arg4[%mul3A_2] : memref<2048xi32, #tpu.memory_space<hbm>> -> memref<64xi32, #tpu.memory_space<hbm>>
      tpu.wait_dma2 semaphore(%run_scoped3A : memref<!tpu.dma_semaphore, #tpu.memory_space<semaphore_mem>>) src(%dma_wait3A_32 : memref<64xi32, #tpu.memory_space<hbm>>) dst(%arg8 : memref<64xi32, #tpu.memory_space<vmem>>)
      tpu.yield
    }) : () -> ()
    "tpu.region"() ({
      %run_scoped3A = tpu.sem_alloc : memref<!tpu.dma_semaphore, #tpu.memory_space<semaphore_mem>>
      %dma_start3A_29 = tpu.memref_slice %arg5[%mul3A_2] : memref<2048xi32, #tpu.memory_space<hbm>> -> memref<64xi32, #tpu.memory_space<hbm>>
      %dma_start3A_30 = tpu.memref_slice %arg5[%mul3A_2] : memref<2048xi32, #tpu.memory_space<hbm>> -> memref<64xi32, #tpu.memory_space<hbm>>
      tpu.enqueue_dma source(%dma_start3A_30 : memref<64xi32, #tpu.memory_space<hbm>>) target(%arg9 : memref<64xi32, #tpu.memory_space<vmem>>) target_semaphore(%run_scoped3A : memref<!tpu.dma_semaphore, #tpu.memory_space<semaphore_mem>>)
      %dma_wait3A_31 = tpu.memref_slice %arg5[%mul3A_2] : memref<2048xi32, #tpu.memory_space<hbm>> -> memref<64xi32, #tpu.memory_space<hbm>>
      %dma_wait3A_32 = tpu.memref_slice %arg5[%mul3A_2] : memref<2048xi32, #tpu.memory_space<hbm>> -> memref<64xi32, #tpu.memory_space<hbm>>
      tpu.wait_dma2 semaphore(%run_scoped3A : memref<!tpu.dma_semaphore, #tpu.memory_space<semaphore_mem>>) src(%dma_wait3A_32 : memref<64xi32, #tpu.memory_space<hbm>>) dst(%arg9 : memref<64xi32, #tpu.memory_space<vmem>>)
      tpu.yield
    }) : () -> ()
    %dma_start3A = arith.constant 0 : i32
    %dma_start3A_3 = arith.constant 0 : i32
    %dma_start3A_4 = tpu.memref_slice %arg2[%dma_start3A, %dma_start3A_3] : memref<100000x256xf32, #tpu.memory_space<hbm>> -> memref<100000x256xf32, #tpu.memory_space<hbm>>
    tpu.enqueue_indirect_dma source(%dma_start3A_4 : memref<100000x256xf32, #tpu.memory_space<hbm>>) target(%arg10 : memref<64x256xf32, #tpu.memory_space<vmem>>) offsets(%arg8 : memref<64xi32, #tpu.memory_space<vmem>>) semaphore(%arg12 : memref<!tpu.dma_semaphore, #tpu.memory_space<semaphore_mem>>)
    %dma_start3A_5 = arith.constant 0 : i32
    %dma_start3A_6 = arith.constant 0 : i32
    %dma_start3A_7 = tpu.memref_slice %arg3[%dma_start3A_5, %dma_start3A_6] : memref<100000x256xf32, #tpu.memory_space<hbm>> -> memref<100000x256xf32, #tpu.memory_space<hbm>>
    tpu.enqueue_indirect_dma source(%dma_start3A_7 : memref<100000x256xf32, #tpu.memory_space<hbm>>) target(%arg11 : memref<64x256xf32, #tpu.memory_space<vmem>>) offsets(%arg9 : memref<64xi32, #tpu.memory_space<vmem>>) semaphore(%arg13 : memref<!tpu.dma_semaphore, #tpu.memory_space<semaphore_mem>>)
    %dma_wait3A = arith.constant 0 : i32
    %dma_wait3A_8 = arith.constant 0 : i32
    %dma_wait3A_9 = tpu.memref_slice %arg2[%dma_wait3A, %dma_wait3A_8] : memref<100000x256xf32, #tpu.memory_space<hbm>> -> memref<100000x256xf32, #tpu.memory_space<hbm>>
    tpu.wait_indirect_dma semaphore(%arg12 : memref<!tpu.dma_semaphore, #tpu.memory_space<semaphore_mem>>) src(%dma_wait3A_9 : memref<100000x256xf32, #tpu.memory_space<hbm>>) dst(%arg10 : memref<64x256xf32, #tpu.memory_space<vmem>>)
    %dma_start3A_10 = arith.constant 0 : i32
    %dma_start3A_11 = tpu.memref_slice %arg6[%mul3A_2, %dma_start3A_10] : memref<2048x256xf32, #tpu.memory_space<hbm>> -> memref<64x256xf32, #tpu.memory_space<hbm>>
    %dma_start3A_12 = arith.constant 0 : i32
    %dma_start3A_13 = tpu.memref_slice %arg6[%mul3A_2, %dma_start3A_12] : memref<2048x256xf32, #tpu.memory_space<hbm>> -> memref<64x256xf32, #tpu.memory_space<hbm>>
    tpu.enqueue_dma source(%arg10 : memref<64x256xf32, #tpu.memory_space<vmem>>) target(%dma_start3A_13 : memref<64x256xf32, #tpu.memory_space<hbm>>) target_semaphore(%arg14 : memref<!tpu.dma_semaphore, #tpu.memory_space<semaphore_mem>>)
    %dma_wait3A_14 = arith.constant 0 : i32
    %dma_wait3A_15 = arith.constant 0 : i32
    %dma_wait3A_16 = tpu.memref_slice %arg3[%dma_wait3A_14, %dma_wait3A_15] : memref<100000x256xf32, #tpu.memory_space<hbm>> -> memref<100000x256xf32, #tpu.memory_space<hbm>>
    tpu.wait_indirect_dma semaphore(%arg13 : memref<!tpu.dma_semaphore, #tpu.memory_space<semaphore_mem>>) src(%dma_wait3A_16 : memref<100000x256xf32, #tpu.memory_space<hbm>>) dst(%arg11 : memref<64x256xf32, #tpu.memory_space<vmem>>)
    %dma_start3A_17 = arith.constant 0 : i32
    %dma_start3A_18 = tpu.memref_slice %arg7[%mul3A_2, %dma_start3A_17] : memref<2048x256xf32, #tpu.memory_space<hbm>> -> memref<64x256xf32, #tpu.memory_space<hbm>>
    %dma_start3A_19 = arith.constant 0 : i32
    %dma_start3A_20 = tpu.memref_slice %arg7[%mul3A_2, %dma_start3A_19] : memref<2048x256xf32, #tpu.memory_space<hbm>> -> memref<64x256xf32, #tpu.memory_space<hbm>>
    tpu.enqueue_dma source(%arg11 : memref<64x256xf32, #tpu.memory_space<vmem>>) target(%dma_start3A_20 : memref<64x256xf32, #tpu.memory_space<hbm>>) target_semaphore(%arg15 : memref<!tpu.dma_semaphore, #tpu.memory_space<semaphore_mem>>)
    %dma_wait3A_21 = arith.constant 0 : i32
    %dma_wait3A_22 = tpu.memref_slice %arg6[%mul3A_2, %dma_wait3A_21] : memref<2048x256xf32, #tpu.memory_space<hbm>> -> memref<64x256xf32, #tpu.memory_space<hbm>>
    %dma_wait3A_23 = arith.constant 0 : i32
    %dma_wait3A_24 = tpu.memref_slice %arg6[%mul3A_2, %dma_wait3A_23] : memref<2048x256xf32, #tpu.memory_space<hbm>> -> memref<64x256xf32, #tpu.memory_space<hbm>>
    tpu.wait_dma2 semaphore(%arg14 : memref<!tpu.dma_semaphore, #tpu.memory_space<semaphore_mem>>) src(%arg10 : memref<64x256xf32, #tpu.memory_space<vmem>>) dst(%dma_wait3A_24 : memref<64x256xf32, #tpu.memory_space<hbm>>)
    %dma_wait3A_25 = arith.constant 0 : i32
    %dma_wait3A_26 = tpu.memref_slice %arg7[%mul3A_2, %dma_wait3A_25] : memref<2048x256xf32, #tpu.memory_space<hbm>> -> memref<64x256xf32, #tpu.memory_space<hbm>>
    %dma_wait3A_27 = arith.constant 0 : i32
    %dma_wait3A_28 = tpu.memref_slice %arg7[%mul3A_2, %dma_wait3A_27] : memref<2048x256xf32, #tpu.memory_space<hbm>> -> memref<64x256xf32, #tpu.memory_space<hbm>>
    tpu.wait_dma2 semaphore(%arg15 : memref<!tpu.dma_semaphore, #tpu.memory_space<semaphore_mem>>) src(%arg11 : memref<64x256xf32, #tpu.memory_space<vmem>>) dst(%dma_wait3A_28 : memref<64x256xf32, #tpu.memory_space<hbm>>)
    return
  }
}

module attributes {stable_mosaic.version = 14 : i64} {
  func.func @_tc_body(%arg0: memref<2048x256xf32, #tpu.memory_space<vmem>>, %arg1: memref<2048x256xf32, #tpu.memory_space<vmem>>, %arg2: memref<2048x1xi32, #tpu.memory_space<vmem>>, %arg3: memref<1x2048xi32, #tpu.memory_space<vmem>>, %arg4: memref<2048x1xi32, #tpu.memory_space<vmem>>, %arg5: memref<1x2048xi32, #tpu.memory_space<vmem>>, %arg6: memref<2048x1xi32, #tpu.memory_space<vmem>>, %arg7: memref<1x2048xi32, #tpu.memory_space<vmem>>, %arg8: memref<256x256xbf16, #tpu.memory_space<vmem>>, %arg9: memref<1x256xf32, #tpu.memory_space<vmem>>, %arg10: memref<256x768xbf16, #tpu.memory_space<vmem>>, %arg11: memref<256x768xbf16, #tpu.memory_space<vmem>>, %arg12: memref<1x768xf32, #tpu.memory_space<vmem>>, %arg13: memref<2048x256xf32, #tpu.memory_space<vmem>>, %arg14: memref<2048x256xf32, #tpu.memory_space<vmem>>) attributes {dimension_semantics = [], scalar_prefetch = 0 : i64, scratch_operands = 0 : i64, tpu.core_type = #tpu.core_type<tc>} {
    %get3A = arith.constant 0 : index
    %get3A_0 = arith.constant 0 : index
    %get3A_1 = vector.load %arg0[%get3A, %get3A_0] : memref<2048x256xf32, #tpu.memory_space<vmem>>, vector<2048x256xf32>
    %get3A_2 = arith.constant 0 : index
    %get3A_3 = arith.constant 0 : index
    %get3A_4 = vector.load %arg1[%get3A_2, %get3A_3] : memref<2048x256xf32, #tpu.memory_space<vmem>>, vector<2048x256xf32>
    %get3A_5 = arith.constant 0 : index
    %get3A_6 = arith.constant 0 : index
    %get3A_7 = vector.load %arg4[%get3A_5, %get3A_6] : memref<2048x1xi32, #tpu.memory_space<vmem>>, vector<2048x1xi32>
    %get3A_8 = arith.constant 0 : index
    %get3A_9 = arith.constant 0 : index
    %get3A_10 = vector.load %arg6[%get3A_8, %get3A_9] : memref<2048x1xi32, #tpu.memory_space<vmem>>, vector<2048x1xi32>
    %eq3A = arith.constant 0 : i32
    %eq3A_11 = vector.broadcast %eq3A : i32 to vector<2048x1xi32>
    %eq3A_12 = arith.cmpi eq, %get3A_10, %eq3A_11 : vector<2048x1xi32>
    %eq3A_13 = arith.constant 1 : i32
    %eq3A_14 = vector.broadcast %eq3A_13 : i32 to vector<2048x1xi32>
    %eq3A_15 = arith.cmpi eq, %get3A_10, %eq3A_14 : vector<2048x1xi32>
    %or3A = arith.ori %eq3A_12, %eq3A_15 : vector<2048x1xi1>
    %eq3A_16 = arith.constant 1 : i32
    %eq3A_17 = vector.broadcast %eq3A_16 : i32 to vector<2048x1xi32>
    %eq3A_18 = arith.cmpi eq, %get3A_7, %eq3A_17 : vector<2048x1xi32>
    %not3A = arith.constant dense<true> : vector<2048x1xi1>
    %not3A_19 = arith.xori %or3A, %not3A : vector<2048x1xi1>
    %and3A = arith.andi %eq3A_18, %not3A_19 : vector<2048x1xi1>
    %eq3A_20 = arith.constant 2 : i32
    %eq3A_21 = vector.broadcast %eq3A_20 : i32 to vector<2048x1xi32>
    %eq3A_22 = arith.cmpi eq, %get3A_7, %eq3A_21 : vector<2048x1xi32>
    %not3A_23 = arith.constant dense<true> : vector<2048x1xi1>
    %not3A_24 = arith.xori %or3A, %not3A_23 : vector<2048x1xi1>
    %and3A_25 = arith.andi %eq3A_22, %not3A_24 : vector<2048x1xi1>
    %convert_element_type3A = arith.extui %and3A : vector<2048x1xi1> to vector<2048x1xi32>
    %convert_element_type3A_26 = arith.sitofp %convert_element_type3A : vector<2048x1xi32> to vector<2048x1xf32>
    %mul3A = vector.broadcast %convert_element_type3A_26 : vector<2048x1xf32> to vector<2048x256xf32>
    %mul3A_27 = arith.mulf %mul3A, %get3A_1 : vector<2048x256xf32>
    %convert_element_type3A_28 = arith.extui %and3A_25 : vector<2048x1xi1> to vector<2048x1xi32>
    %convert_element_type3A_29 = arith.sitofp %convert_element_type3A_28 : vector<2048x1xi32> to vector<2048x1xf32>
    %mul3A_30 = vector.broadcast %convert_element_type3A_29 : vector<2048x1xf32> to vector<2048x256xf32>
    %mul3A_31 = arith.mulf %mul3A_30, %get3A_4 : vector<2048x256xf32>
    %add3A = arith.addf %mul3A_27, %mul3A_31 : vector<2048x256xf32>
    %get3A_32 = arith.constant 0 : index
    %get3A_33 = arith.constant 0 : index
    %get3A_34 = vector.load %arg8[%get3A_32, %get3A_33] : memref<256x256xbf16, #tpu.memory_space<vmem>>, vector<256x256xbf16>
    %get3A_35 = arith.constant 0 : index
    %get3A_36 = arith.constant 0 : index
    %get3A_37 = vector.load %arg9[%get3A_35, %get3A_36] : memref<1x256xf32, #tpu.memory_space<vmem>>, vector<1x256xf32>
    %get3A_38 = arith.constant 0 : index
    %get3A_39 = arith.constant 0 : index
    %get3A_40 = vector.load %arg10[%get3A_38, %get3A_39] : memref<256x768xbf16, #tpu.memory_space<vmem>>, vector<256x768xbf16>
    %get3A_41 = arith.constant 0 : index
    %get3A_42 = arith.constant 0 : index
    %get3A_43 = vector.load %arg11[%get3A_41, %get3A_42] : memref<256x768xbf16, #tpu.memory_space<vmem>>, vector<256x768xbf16>
    %get3A_44 = arith.constant 0 : index
    %get3A_45 = arith.constant 0 : index
    %get3A_46 = vector.load %arg12[%get3A_44, %get3A_45] : memref<1x768xf32, #tpu.memory_space<vmem>>, vector<1x768xf32>
    %convert_element_type3A_47 = arith.truncf %add3A : vector<2048x256xf32> to vector<2048x256xbf16>
    %dot_general3A = arith.constant dense<0.000000e+00> : vector<2048x256xf32>
    %dot_general3A_48 = tpu.matmul %convert_element_type3A_47, %get3A_34, %dot_general3A {dimension_numbers = #tpu.dot_dimension_numbers<[1], [0], [0], [1], [0, 0, 1, 1], [], []>, transpose_lhs_hint = false} : vector<2048x256xbf16>, vector<256x256xbf16>, vector<2048x256xf32> -> vector<2048x256xf32>
    %add3A_49 = vector.broadcast %get3A_37 : vector<1x256xf32> to vector<2048x256xf32>
    %add3A_50 = arith.addf %dot_general3A_48, %add3A_49 : vector<2048x256xf32>
    %tanh3A = math.tanh %add3A_50 : vector<2048x256xf32>
    %convert_element_type3A_51 = arith.truncf %add3A : vector<2048x256xf32> to vector<2048x256xbf16>
    %dot_general3A_52 = arith.constant dense<0.000000e+00> : vector<2048x768xf32>
    %dot_general3A_53 = tpu.matmul %convert_element_type3A_51, %get3A_40, %dot_general3A_52 {dimension_numbers = #tpu.dot_dimension_numbers<[1], [0], [0], [1], [0, 0, 1, 1], [], []>, transpose_lhs_hint = false} : vector<2048x256xbf16>, vector<256x768xbf16>, vector<2048x768xf32> -> vector<2048x768xf32>
    %convert_element_type3A_54 = arith.truncf %tanh3A : vector<2048x256xf32> to vector<2048x256xbf16>
    %dot_general3A_55 = arith.constant dense<0.000000e+00> : vector<2048x768xf32>
    %dot_general3A_56 = tpu.matmul %convert_element_type3A_54, %get3A_43, %dot_general3A_55 {dimension_numbers = #tpu.dot_dimension_numbers<[1], [0], [0], [1], [0, 0, 1, 1], [], []>, transpose_lhs_hint = false} : vector<2048x256xbf16>, vector<256x768xbf16>, vector<2048x768xf32> -> vector<2048x768xf32>
    %add3A_57 = arith.addf %dot_general3A_53, %dot_general3A_56 : vector<2048x768xf32>
    %add3A_58 = vector.broadcast %get3A_46 : vector<1x768xf32> to vector<2048x768xf32>
    %add3A_59 = arith.addf %add3A_57, %add3A_58 : vector<2048x768xf32>
    %slice3A = vector.extract_strided_slice %add3A_59 {offsets = [0, 0], sizes = [2048, 256], strides = [1, 1]} : vector<2048x768xf32> to vector<2048x256xf32>
    %logistic3A = arith.negf %slice3A : vector<2048x256xf32>
    %logistic3A_60 = math.exp %logistic3A : vector<2048x256xf32>
    %logistic3A_61 = arith.constant 1.000000e+00 : f32
    %logistic3A_62 = vector.broadcast %logistic3A_61 : f32 to vector<2048x256xf32>
    %logistic3A_63 = arith.addf %logistic3A_62, %logistic3A_60 : vector<2048x256xf32>
    %logistic3A_64 = arith.divf %logistic3A_62, %logistic3A_63 : vector<2048x256xf32>
    %slice3A_65 = vector.extract_strided_slice %add3A_59 {offsets = [0, 256], sizes = [2048, 256], strides = [1, 1]} : vector<2048x768xf32> to vector<2048x256xf32>
    %max3A = arith.constant 0.000000e+00 : f32
    %max3A_66 = vector.broadcast %max3A : f32 to vector<2048x256xf32>
    %max3A_67 = arith.maximumf %slice3A_65, %max3A_66 : vector<2048x256xf32>
    %slice3A_68 = vector.extract_strided_slice %add3A_59 {offsets = [0, 512], sizes = [2048, 256], strides = [1, 1]} : vector<2048x768xf32> to vector<2048x256xf32>
    %mul3A_69 = arith.mulf %logistic3A_64, %max3A_67 : vector<2048x256xf32>
    %sub3A = arith.constant 1.000000e+00 : f32
    %sub3A_70 = vector.broadcast %sub3A : f32 to vector<2048x256xf32>
    %sub3A_71 = arith.subf %sub3A_70, %logistic3A_64 : vector<2048x256xf32>
    %mul3A_72 = arith.mulf %sub3A_71, %slice3A_68 : vector<2048x256xf32>
    %add3A_73 = arith.addf %mul3A_69, %mul3A_72 : vector<2048x256xf32>
    %broadcast_in_dim3A = vector.shape_cast %and3A_25 : vector<2048x1xi1> to vector<2048x1xi1>
    %broadcast_in_dim3A_74 = vector.broadcast %broadcast_in_dim3A : vector<2048x1xi1> to vector<2048x256xi1>
    %select_n3A = arith.select %broadcast_in_dim3A_74, %add3A_73, %add3A : vector<2048x256xi1>, vector<2048x256xf32>
    %convert_element_type3A_75 = arith.truncf %select_n3A : vector<2048x256xf32> to vector<2048x256xbf16>
    %dot_general3A_76 = arith.constant dense<0.000000e+00> : vector<2048x256xf32>
    %dot_general3A_77 = tpu.matmul %convert_element_type3A_75, %get3A_34, %dot_general3A_76 {dimension_numbers = #tpu.dot_dimension_numbers<[1], [0], [0], [1], [0, 0, 1, 1], [], []>, transpose_lhs_hint = false} : vector<2048x256xbf16>, vector<256x256xbf16>, vector<2048x256xf32> -> vector<2048x256xf32>
    %add3A_78 = vector.broadcast %get3A_37 : vector<1x256xf32> to vector<2048x256xf32>
    %add3A_79 = arith.addf %dot_general3A_77, %add3A_78 : vector<2048x256xf32>
    %tanh3A_80 = math.tanh %add3A_79 : vector<2048x256xf32>
    %convert_element_type3A_81 = arith.truncf %select_n3A : vector<2048x256xf32> to vector<2048x256xbf16>
    %dot_general3A_82 = arith.constant dense<0.000000e+00> : vector<2048x768xf32>
    %dot_general3A_83 = tpu.matmul %convert_element_type3A_81, %get3A_40, %dot_general3A_82 {dimension_numbers = #tpu.dot_dimension_numbers<[1], [0], [0], [1], [0, 0, 1, 1], [], []>, transpose_lhs_hint = false} : vector<2048x256xbf16>, vector<256x768xbf16>, vector<2048x768xf32> -> vector<2048x768xf32>
    %convert_element_type3A_84 = arith.truncf %tanh3A_80 : vector<2048x256xf32> to vector<2048x256xbf16>
    %dot_general3A_85 = arith.constant dense<0.000000e+00> : vector<2048x768xf32>
    %dot_general3A_86 = tpu.matmul %convert_element_type3A_84, %get3A_43, %dot_general3A_85 {dimension_numbers = #tpu.dot_dimension_numbers<[1], [0], [0], [1], [0, 0, 1, 1], [], []>, transpose_lhs_hint = false} : vector<2048x256xbf16>, vector<256x768xbf16>, vector<2048x768xf32> -> vector<2048x768xf32>
    %add3A_87 = arith.addf %dot_general3A_83, %dot_general3A_86 : vector<2048x768xf32>
    %add3A_88 = vector.broadcast %get3A_46 : vector<1x768xf32> to vector<2048x768xf32>
    %add3A_89 = arith.addf %add3A_87, %add3A_88 : vector<2048x768xf32>
    %slice3A_90 = vector.extract_strided_slice %add3A_89 {offsets = [0, 0], sizes = [2048, 256], strides = [1, 1]} : vector<2048x768xf32> to vector<2048x256xf32>
    %logistic3A_91 = arith.negf %slice3A_90 : vector<2048x256xf32>
    %logistic3A_92 = math.exp %logistic3A_91 : vector<2048x256xf32>
    %logistic3A_93 = arith.constant 1.000000e+00 : f32
    %logistic3A_94 = vector.broadcast %logistic3A_93 : f32 to vector<2048x256xf32>
    %logistic3A_95 = arith.addf %logistic3A_94, %logistic3A_92 : vector<2048x256xf32>
    %logistic3A_96 = arith.divf %logistic3A_94, %logistic3A_95 : vector<2048x256xf32>
    %slice3A_97 = vector.extract_strided_slice %add3A_89 {offsets = [0, 256], sizes = [2048, 256], strides = [1, 1]} : vector<2048x768xf32> to vector<2048x256xf32>
    %max3A_98 = arith.constant 0.000000e+00 : f32
    %max3A_99 = vector.broadcast %max3A_98 : f32 to vector<2048x256xf32>
    %max3A_100 = arith.maximumf %slice3A_97, %max3A_99 : vector<2048x256xf32>
    %slice3A_101 = vector.extract_strided_slice %add3A_89 {offsets = [0, 512], sizes = [2048, 256], strides = [1, 1]} : vector<2048x768xf32> to vector<2048x256xf32>
    %mul3A_102 = arith.mulf %logistic3A_96, %max3A_100 : vector<2048x256xf32>
    %sub3A_103 = arith.constant 1.000000e+00 : f32
    %sub3A_104 = vector.broadcast %sub3A_103 : f32 to vector<2048x256xf32>
    %sub3A_105 = arith.subf %sub3A_104, %logistic3A_96 : vector<2048x256xf32>
    %mul3A_106 = arith.mulf %sub3A_105, %slice3A_101 : vector<2048x256xf32>
    %add3A_107 = arith.addf %mul3A_102, %mul3A_106 : vector<2048x256xf32>
    %broadcast_in_dim3A_108 = vector.shape_cast %and3A_25 : vector<2048x1xi1> to vector<2048x1xi1>
    %broadcast_in_dim3A_109 = vector.broadcast %broadcast_in_dim3A_108 : vector<2048x1xi1> to vector<2048x256xi1>
    %select_n3A_110 = arith.select %broadcast_in_dim3A_109, %add3A_107, %select_n3A : vector<2048x256xi1>, vector<2048x256xf32>
    %convert_element_type3A_111 = arith.truncf %select_n3A_110 : vector<2048x256xf32> to vector<2048x256xbf16>
    %dot_general3A_112 = arith.constant dense<0.000000e+00> : vector<2048x256xf32>
    %dot_general3A_113 = tpu.matmul %convert_element_type3A_111, %get3A_34, %dot_general3A_112 {dimension_numbers = #tpu.dot_dimension_numbers<[1], [0], [0], [1], [0, 0, 1, 1], [], []>, transpose_lhs_hint = false} : vector<2048x256xbf16>, vector<256x256xbf16>, vector<2048x256xf32> -> vector<2048x256xf32>
    %add3A_114 = vector.broadcast %get3A_37 : vector<1x256xf32> to vector<2048x256xf32>
    %add3A_115 = arith.addf %dot_general3A_113, %add3A_114 : vector<2048x256xf32>
    %tanh3A_116 = math.tanh %add3A_115 : vector<2048x256xf32>
    %convert_element_type3A_117 = arith.truncf %select_n3A_110 : vector<2048x256xf32> to vector<2048x256xbf16>
    %dot_general3A_118 = arith.constant dense<0.000000e+00> : vector<2048x768xf32>
    %dot_general3A_119 = tpu.matmul %convert_element_type3A_117, %get3A_40, %dot_general3A_118 {dimension_numbers = #tpu.dot_dimension_numbers<[1], [0], [0], [1], [0, 0, 1, 1], [], []>, transpose_lhs_hint = false} : vector<2048x256xbf16>, vector<256x768xbf16>, vector<2048x768xf32> -> vector<2048x768xf32>
    %convert_element_type3A_120 = arith.truncf %tanh3A_116 : vector<2048x256xf32> to vector<2048x256xbf16>
    %dot_general3A_121 = arith.constant dense<0.000000e+00> : vector<2048x768xf32>
    %dot_general3A_122 = tpu.matmul %convert_element_type3A_120, %get3A_43, %dot_general3A_121 {dimension_numbers = #tpu.dot_dimension_numbers<[1], [0], [0], [1], [0, 0, 1, 1], [], []>, transpose_lhs_hint = false} : vector<2048x256xbf16>, vector<256x768xbf16>, vector<2048x768xf32> -> vector<2048x768xf32>
    %add3A_123 = arith.addf %dot_general3A_119, %dot_general3A_122 : vector<2048x768xf32>
    %add3A_124 = vector.broadcast %get3A_46 : vector<1x768xf32> to vector<2048x768xf32>
    %add3A_125 = arith.addf %add3A_123, %add3A_124 : vector<2048x768xf32>
    %slice3A_126 = vector.extract_strided_slice %add3A_125 {offsets = [0, 0], sizes = [2048, 256], strides = [1, 1]} : vector<2048x768xf32> to vector<2048x256xf32>
    %logistic3A_127 = arith.negf %slice3A_126 : vector<2048x256xf32>
    %logistic3A_128 = math.exp %logistic3A_127 : vector<2048x256xf32>
    %logistic3A_129 = arith.constant 1.000000e+00 : f32
    %logistic3A_130 = vector.broadcast %logistic3A_129 : f32 to vector<2048x256xf32>
    %logistic3A_131 = arith.addf %logistic3A_130, %logistic3A_128 : vector<2048x256xf32>
    %logistic3A_132 = arith.divf %logistic3A_130, %logistic3A_131 : vector<2048x256xf32>
    %slice3A_133 = vector.extract_strided_slice %add3A_125 {offsets = [0, 256], sizes = [2048, 256], strides = [1, 1]} : vector<2048x768xf32> to vector<2048x256xf32>
    %max3A_134 = arith.constant 0.000000e+00 : f32
    %max3A_135 = vector.broadcast %max3A_134 : f32 to vector<2048x256xf32>
    %max3A_136 = arith.maximumf %slice3A_133, %max3A_135 : vector<2048x256xf32>
    %slice3A_137 = vector.extract_strided_slice %add3A_125 {offsets = [0, 512], sizes = [2048, 256], strides = [1, 1]} : vector<2048x768xf32> to vector<2048x256xf32>
    %mul3A_138 = arith.mulf %logistic3A_132, %max3A_136 : vector<2048x256xf32>
    %sub3A_139 = arith.constant 1.000000e+00 : f32
    %sub3A_140 = vector.broadcast %sub3A_139 : f32 to vector<2048x256xf32>
    %sub3A_141 = arith.subf %sub3A_140, %logistic3A_132 : vector<2048x256xf32>
    %mul3A_142 = arith.mulf %sub3A_141, %slice3A_137 : vector<2048x256xf32>
    %add3A_143 = arith.addf %mul3A_138, %mul3A_142 : vector<2048x256xf32>
    %swap3A = arith.constant 0 : index
    %swap3A_144 = arith.constant 0 : index
    %swap3A_145 = vector.load %arg13[%swap3A, %swap3A_144] : memref<2048x256xf32, #tpu.memory_space<vmem>>, vector<2048x256xf32>
    tpu.vector_store %arg13[%swap3A, %swap3A_144], %add3A_143 {strides = array<i32>} : memref<2048x256xf32, #tpu.memory_space<vmem>>, vector<2048x256xf32>,
    %get3A_146 = arith.constant 0 : index
    %get3A_147 = arith.constant 0 : index
    %get3A_148 = vector.load %arg2[%get3A_146, %get3A_147] : memref<2048x1xi32, #tpu.memory_space<vmem>>, vector<2048x1xi32>
    %get3A_149 = arith.constant 0 : index
    %get3A_150 = arith.constant 0 : index
    %get3A_151 = vector.load %arg3[%get3A_149, %get3A_150] : memref<1x2048xi32, #tpu.memory_space<vmem>>, vector<1x2048xi32>
    %get3A_152 = arith.constant 0 : index
    %get3A_153 = arith.constant 0 : index
    %get3A_154 = vector.load %arg5[%get3A_152, %get3A_153] : memref<1x2048xi32, #tpu.memory_space<vmem>>, vector<1x2048xi32>
    %get3A_155 = arith.constant 0 : index
    %get3A_156 = arith.constant 0 : index
    %get3A_157 = vector.load %arg7[%get3A_155, %get3A_156] : memref<1x2048xi32, #tpu.memory_space<vmem>>, vector<1x2048xi32>
    %eq3A_158 = arith.constant 2 : i32
    %eq3A_159 = vector.broadcast %eq3A_158 : i32 to vector<1x2048xi32>
    %eq3A_160 = arith.cmpi eq, %get3A_154, %eq3A_159 : vector<1x2048xi32>
    %eq3A_161 = arith.constant 0 : i32
    %eq3A_162 = vector.broadcast %eq3A_161 : i32 to vector<1x2048xi32>
    %eq3A_163 = arith.cmpi eq, %get3A_157, %eq3A_162 : vector<1x2048xi32>
    %eq3A_164 = arith.constant 1 : i32
    %eq3A_165 = vector.broadcast %eq3A_164 : i32 to vector<1x2048xi32>
    %eq3A_166 = arith.cmpi eq, %get3A_157, %eq3A_165 : vector<1x2048xi32>
    %or3A_167 = arith.ori %eq3A_163, %eq3A_166 : vector<1x2048xi1>
    %not3A_168 = arith.constant dense<true> : vector<1x2048xi1>
    %not3A_169 = arith.xori %or3A_167, %not3A_168 : vector<1x2048xi1>
    %and3A_170 = arith.andi %eq3A_160, %not3A_169 : vector<1x2048xi1>
    %jit3A = arith.constant -1 : i32
    %broadcast_in_dim3A_171 = vector.broadcast %jit3A : i32 to vector<1x2048xi32>
    %select_n3A_172 = arith.select %and3A_170, %get3A_151, %broadcast_in_dim3A_171 : vector<1x2048xi1>, vector<1x2048xi32>
    %convert_element_type3A_173 = arith.truncf %add3A_143 : vector<2048x256xf32> to vector<2048x256xbf16>
    %slice3A_174 = vector.extract_strided_slice %get3A_148 {offsets = [0, 0], sizes = [256, 1], strides = [1, 1]} : vector<2048x1xi32> to vector<256x1xi32>
    %eq3A_175 = vector.broadcast %slice3A_174 : vector<256x1xi32> to vector<256x2048xi32>
    %eq3A_176 = vector.broadcast %select_n3A_172 : vector<1x2048xi32> to vector<256x2048xi32>
    %eq3A_177 = arith.cmpi eq, %eq3A_175, %eq3A_176 : vector<256x2048xi32>
    %convert_element_type3A_178 = arith.extui %eq3A_177 : vector<256x2048xi1> to vector<256x2048xi32>
    %reduce_sum3A = arith.constant dense<0> : vector<256xi32>
    %reduce_sum3A_179 = vector.multi_reduction <add>, %convert_element_type3A_178, %reduce_sum3A [1] : vector<256x2048xi32> to vector<256xi32>
    %broadcast_in_dim3A_180 = vector.shape_cast %reduce_sum3A_179 : vector<256xi32> to vector<256x1xi32>
    %convert_element_type3A_181 = arith.sitofp %broadcast_in_dim3A_180 : vector<256x1xi32> to vector<256x1xf32>
    %convert_element_type3A_182 = arith.extui %eq3A_177 : vector<256x2048xi1> to vector<256x2048xi32>
    %convert_element_type3A_183 = arith.sitofp %convert_element_type3A_182 : vector<256x2048xi32> to vector<256x2048xf32>
    %convert_element_type3A_184 = arith.truncf %convert_element_type3A_183 : vector<256x2048xf32> to vector<256x2048xbf16>
    %dot_general3A_185 = arith.constant dense<0.000000e+00> : vector<256x256xf32>
    %dot_general3A_186 = tpu.matmul %convert_element_type3A_184, %convert_element_type3A_173, %dot_general3A_185 {dimension_numbers = #tpu.dot_dimension_numbers<[1], [0], [0], [1], [0, 0, 1, 1], [], []>, transpose_lhs_hint = false} : vector<256x2048xbf16>, vector<2048x256xbf16>, vector<256x256xf32> -> vector<256x256xf32>
    %slice3A_187 = vector.extract_strided_slice %get3A_4 {offsets = [0, 0], sizes = [256, 256], strides = [1, 1]} : vector<2048x256xf32> to vector<256x256xf32>
    %gt3A = arith.constant 0.000000e+00 : f32
    %gt3A_188 = vector.broadcast %gt3A : f32 to vector<256x1xf32>
    %gt3A_189 = arith.cmpf ogt, %convert_element_type3A_181, %gt3A_188 : vector<256x1xf32>
    %mul3A_190 = arith.constant 5.000000e-01 : f32
    %mul3A_191 = vector.broadcast %mul3A_190 : f32 to vector<256x256xf32>
    %mul3A_192 = arith.mulf %mul3A_191, %slice3A_187 : vector<256x256xf32>
    %mul3A_193 = arith.constant 5.000000e-01 : f32
    %mul3A_194 = vector.broadcast %mul3A_193 : f32 to vector<256x256xf32>
    %mul3A_195 = arith.mulf %mul3A_194, %dot_general3A_186 : vector<256x256xf32>
    %max3A_196 = arith.constant 1.000000e+00 : f32
    %max3A_197 = vector.broadcast %max3A_196 : f32 to vector<256x1xf32>
    %max3A_198 = arith.maximumf %convert_element_type3A_181, %max3A_197 : vector<256x1xf32>
    %div3A = vector.broadcast %max3A_198 : vector<256x1xf32> to vector<256x256xf32>
    %div3A_199 = arith.divf %mul3A_195, %div3A : vector<256x256xf32>
    %add3A_200 = arith.addf %mul3A_192, %div3A_199 : vector<256x256xf32>
    %broadcast_in_dim3A_201 = vector.shape_cast %gt3A_189 : vector<256x1xi1> to vector<256x1xi1>
    %broadcast_in_dim3A_202 = vector.broadcast %broadcast_in_dim3A_201 : vector<256x1xi1> to vector<256x256xi1>
    %select_n3A_203 = arith.select %broadcast_in_dim3A_202, %add3A_200, %slice3A_187 : vector<256x256xi1>, vector<256x256xf32>
    %swap3A_204 = arith.constant 0 : index
    %swap3A_205 = arith.constant 0 : index
    %swap3A_206 = vector.load %arg14[%swap3A_204, %swap3A_205] : memref<2048x256xf32, #tpu.memory_space<vmem>>, vector<256x256xf32>
    tpu.vector_store %arg14[%swap3A_204, %swap3A_205], %select_n3A_203 {strides = array<i32>} : memref<2048x256xf32, #tpu.memory_space<vmem>>, vector<256x256xf32>,
    %slice3A_207 = vector.extract_strided_slice %get3A_148 {offsets = [256, 0], sizes = [256, 1], strides = [1, 1]} : vector<2048x1xi32> to vector<256x1xi32>
    %eq3A_208 = vector.broadcast %slice3A_207 : vector<256x1xi32> to vector<256x2048xi32>
    %eq3A_209 = vector.broadcast %select_n3A_172 : vector<1x2048xi32> to vector<256x2048xi32>
    %eq3A_210 = arith.cmpi eq, %eq3A_208, %eq3A_209 : vector<256x2048xi32>
    %convert_element_type3A_211 = arith.extui %eq3A_210 : vector<256x2048xi1> to vector<256x2048xi32>
    %reduce_sum3A_212 = arith.constant dense<0> : vector<256xi32>
    %reduce_sum3A_213 = vector.multi_reduction <add>, %convert_element_type3A_211, %reduce_sum3A_212 [1] : vector<256x2048xi32> to vector<256xi32>
    %broadcast_in_dim3A_214 = vector.shape_cast %reduce_sum3A_213 : vector<256xi32> to vector<256x1xi32>
    %convert_element_type3A_215 = arith.sitofp %broadcast_in_dim3A_214 : vector<256x1xi32> to vector<256x1xf32>
    %convert_element_type3A_216 = arith.extui %eq3A_210 : vector<256x2048xi1> to vector<256x2048xi32>
    %convert_element_type3A_217 = arith.sitofp %convert_element_type3A_216 : vector<256x2048xi32> to vector<256x2048xf32>
    %convert_element_type3A_218 = arith.truncf %convert_element_type3A_217 : vector<256x2048xf32> to vector<256x2048xbf16>
    %dot_general3A_219 = arith.constant dense<0.000000e+00> : vector<256x256xf32>
    %dot_general3A_220 = tpu.matmul %convert_element_type3A_218, %convert_element_type3A_173, %dot_general3A_219 {dimension_numbers = #tpu.dot_dimension_numbers<[1], [0], [0], [1], [0, 0, 1, 1], [], []>, transpose_lhs_hint = false} : vector<256x2048xbf16>, vector<2048x256xbf16>, vector<256x256xf32> -> vector<256x256xf32>
    %slice3A_221 = vector.extract_strided_slice %get3A_4 {offsets = [256, 0], sizes = [256, 256], strides = [1, 1]} : vector<2048x256xf32> to vector<256x256xf32>
    %gt3A_222 = arith.constant 0.000000e+00 : f32
    %gt3A_223 = vector.broadcast %gt3A_222 : f32 to vector<256x1xf32>
    %gt3A_224 = arith.cmpf ogt, %convert_element_type3A_215, %gt3A_223 : vector<256x1xf32>
    %mul3A_225 = arith.constant 5.000000e-01 : f32
    %mul3A_226 = vector.broadcast %mul3A_225 : f32 to vector<256x256xf32>
    %mul3A_227 = arith.mulf %mul3A_226, %slice3A_221 : vector<256x256xf32>
    %mul3A_228 = arith.constant 5.000000e-01 : f32
    %mul3A_229 = vector.broadcast %mul3A_228 : f32 to vector<256x256xf32>
    %mul3A_230 = arith.mulf %mul3A_229, %dot_general3A_220 : vector<256x256xf32>
    %max3A_231 = arith.constant 1.000000e+00 : f32
    %max3A_232 = vector.broadcast %max3A_231 : f32 to vector<256x1xf32>
    %max3A_233 = arith.maximumf %convert_element_type3A_215, %max3A_232 : vector<256x1xf32>
    %div3A_234 = vector.broadcast %max3A_233 : vector<256x1xf32> to vector<256x256xf32>
    %div3A_235 = arith.divf %mul3A_230, %div3A_234 : vector<256x256xf32>
    %add3A_236 = arith.addf %mul3A_227, %div3A_235 : vector<256x256xf32>
    %broadcast_in_dim3A_237 = vector.shape_cast %gt3A_224 : vector<256x1xi1> to vector<256x1xi1>
    %broadcast_in_dim3A_238 = vector.broadcast %broadcast_in_dim3A_237 : vector<256x1xi1> to vector<256x256xi1>
    %select_n3A_239 = arith.select %broadcast_in_dim3A_238, %add3A_236, %slice3A_221 : vector<256x256xi1>, vector<256x256xf32>
    %swap3A_240 = arith.constant 256 : index
    %swap3A_241 = arith.constant 0 : index
    %swap3A_242 = vector.load %arg14[%swap3A_240, %swap3A_241] : memref<2048x256xf32, #tpu.memory_space<vmem>>, vector<256x256xf32>
    tpu.vector_store %arg14[%swap3A_240, %swap3A_241], %select_n3A_239 {strides = array<i32>} : memref<2048x256xf32, #tpu.memory_space<vmem>>, vector<256x256xf32>,
    %slice3A_243 = vector.extract_strided_slice %get3A_148 {offsets = [512, 0], sizes = [256, 1], strides = [1, 1]} : vector<2048x1xi32> to vector<256x1xi32>
    %eq3A_244 = vector.broadcast %slice3A_243 : vector<256x1xi32> to vector<256x2048xi32>
    %eq3A_245 = vector.broadcast %select_n3A_172 : vector<1x2048xi32> to vector<256x2048xi32>
    %eq3A_246 = arith.cmpi eq, %eq3A_244, %eq3A_245 : vector<256x2048xi32>
    %convert_element_type3A_247 = arith.extui %eq3A_246 : vector<256x2048xi1> to vector<256x2048xi32>
    %reduce_sum3A_248 = arith.constant dense<0> : vector<256xi32>
    %reduce_sum3A_249 = vector.multi_reduction <add>, %convert_element_type3A_247, %reduce_sum3A_248 [1] : vector<256x2048xi32> to vector<256xi32>
    %broadcast_in_dim3A_250 = vector.shape_cast %reduce_sum3A_249 : vector<256xi32> to vector<256x1xi32>
    %convert_element_type3A_251 = arith.sitofp %broadcast_in_dim3A_250 : vector<256x1xi32> to vector<256x1xf32>
    %convert_element_type3A_252 = arith.extui %eq3A_246 : vector<256x2048xi1> to vector<256x2048xi32>
    %convert_element_type3A_253 = arith.sitofp %convert_element_type3A_252 : vector<256x2048xi32> to vector<256x2048xf32>
    %convert_element_type3A_254 = arith.truncf %convert_element_type3A_253 : vector<256x2048xf32> to vector<256x2048xbf16>
    %dot_general3A_255 = arith.constant dense<0.000000e+00> : vector<256x256xf32>
    %dot_general3A_256 = tpu.matmul %convert_element_type3A_254, %convert_element_type3A_173, %dot_general3A_255 {dimension_numbers = #tpu.dot_dimension_numbers<[1], [0], [0], [1], [0, 0, 1, 1], [], []>, transpose_lhs_hint = false} : vector<256x2048xbf16>, vector<2048x256xbf16>, vector<256x256xf32> -> vector<256x256xf32>
    %slice3A_257 = vector.extract_strided_slice %get3A_4 {offsets = [512, 0], sizes = [256, 256], strides = [1, 1]} : vector<2048x256xf32> to vector<256x256xf32>
    %gt3A_258 = arith.constant 0.000000e+00 : f32
    %gt3A_259 = vector.broadcast %gt3A_258 : f32 to vector<256x1xf32>
    %gt3A_260 = arith.cmpf ogt, %convert_element_type3A_251, %gt3A_259 : vector<256x1xf32>
    %mul3A_261 = arith.constant 5.000000e-01 : f32
    %mul3A_262 = vector.broadcast %mul3A_261 : f32 to vector<256x256xf32>
    %mul3A_263 = arith.mulf %mul3A_262, %slice3A_257 : vector<256x256xf32>
    %mul3A_264 = arith.constant 5.000000e-01 : f32
    %mul3A_265 = vector.broadcast %mul3A_264 : f32 to vector<256x256xf32>
    %mul3A_266 = arith.mulf %mul3A_265, %dot_general3A_256 : vector<256x256xf32>
    %max3A_267 = arith.constant 1.000000e+00 : f32
    %max3A_268 = vector.broadcast %max3A_267 : f32 to vector<256x1xf32>
    %max3A_269 = arith.maximumf %convert_element_type3A_251, %max3A_268 : vector<256x1xf32>
    %div3A_270 = vector.broadcast %max3A_269 : vector<256x1xf32> to vector<256x256xf32>
    %div3A_271 = arith.divf %mul3A_266, %div3A_270 : vector<256x256xf32>
    %add3A_272 = arith.addf %mul3A_263, %div3A_271 : vector<256x256xf32>
    %broadcast_in_dim3A_273 = vector.shape_cast %gt3A_260 : vector<256x1xi1> to vector<256x1xi1>
    %broadcast_in_dim3A_274 = vector.broadcast %broadcast_in_dim3A_273 : vector<256x1xi1> to vector<256x256xi1>
    %select_n3A_275 = arith.select %broadcast_in_dim3A_274, %add3A_272, %slice3A_257 : vector<256x256xi1>, vector<256x256xf32>
    %swap3A_276 = arith.constant 512 : index
    %swap3A_277 = arith.constant 0 : index
    %swap3A_278 = vector.load %arg14[%swap3A_276, %swap3A_277] : memref<2048x256xf32, #tpu.memory_space<vmem>>, vector<256x256xf32>
    tpu.vector_store %arg14[%swap3A_276, %swap3A_277], %select_n3A_275 {strides = array<i32>} : memref<2048x256xf32, #tpu.memory_space<vmem>>, vector<256x256xf32>,
    %slice3A_279 = vector.extract_strided_slice %get3A_148 {offsets = [768, 0], sizes = [256, 1], strides = [1, 1]} : vector<2048x1xi32> to vector<256x1xi32>
    %eq3A_280 = vector.broadcast %slice3A_279 : vector<256x1xi32> to vector<256x2048xi32>
    %eq3A_281 = vector.broadcast %select_n3A_172 : vector<1x2048xi32> to vector<256x2048xi32>
    %eq3A_282 = arith.cmpi eq, %eq3A_280, %eq3A_281 : vector<256x2048xi32>
    %convert_element_type3A_283 = arith.extui %eq3A_282 : vector<256x2048xi1> to vector<256x2048xi32>
    %reduce_sum3A_284 = arith.constant dense<0> : vector<256xi32>
    %reduce_sum3A_285 = vector.multi_reduction <add>, %convert_element_type3A_283, %reduce_sum3A_284 [1] : vector<256x2048xi32> to vector<256xi32>
    %broadcast_in_dim3A_286 = vector.shape_cast %reduce_sum3A_285 : vector<256xi32> to vector<256x1xi32>
    %convert_element_type3A_287 = arith.sitofp %broadcast_in_dim3A_286 : vector<256x1xi32> to vector<256x1xf32>
    %convert_element_type3A_288 = arith.extui %eq3A_282 : vector<256x2048xi1> to vector<256x2048xi32>
    %convert_element_type3A_289 = arith.sitofp %convert_element_type3A_288 : vector<256x2048xi32> to vector<256x2048xf32>
    %convert_element_type3A_290 = arith.truncf %convert_element_type3A_289 : vector<256x2048xf32> to vector<256x2048xbf16>
    %dot_general3A_291 = arith.constant dense<0.000000e+00> : vector<256x256xf32>
    %dot_general3A_292 = tpu.matmul %convert_element_type3A_290, %convert_element_type3A_173, %dot_general3A_291 {dimension_numbers = #tpu.dot_dimension_numbers<[1], [0], [0], [1], [0, 0, 1, 1], [], []>, transpose_lhs_hint = false} : vector<256x2048xbf16>, vector<2048x256xbf16>, vector<256x256xf32> -> vector<256x256xf32>
    %slice3A_293 = vector.extract_strided_slice %get3A_4 {offsets = [768, 0], sizes = [256, 256], strides = [1, 1]} : vector<2048x256xf32> to vector<256x256xf32>
    %gt3A_294 = arith.constant 0.000000e+00 : f32
    %gt3A_295 = vector.broadcast %gt3A_294 : f32 to vector<256x1xf32>
    %gt3A_296 = arith.cmpf ogt, %convert_element_type3A_287, %gt3A_295 : vector<256x1xf32>
    %mul3A_297 = arith.constant 5.000000e-01 : f32
    %mul3A_298 = vector.broadcast %mul3A_297 : f32 to vector<256x256xf32>
    %mul3A_299 = arith.mulf %mul3A_298, %slice3A_293 : vector<256x256xf32>
    %mul3A_300 = arith.constant 5.000000e-01 : f32
    %mul3A_301 = vector.broadcast %mul3A_300 : f32 to vector<256x256xf32>
    %mul3A_302 = arith.mulf %mul3A_301, %dot_general3A_292 : vector<256x256xf32>
    %max3A_303 = arith.constant 1.000000e+00 : f32
    %max3A_304 = vector.broadcast %max3A_303 : f32 to vector<256x1xf32>
    %max3A_305 = arith.maximumf %convert_element_type3A_287, %max3A_304 : vector<256x1xf32>
    %div3A_306 = vector.broadcast %max3A_305 : vector<256x1xf32> to vector<256x256xf32>
    %div3A_307 = arith.divf %mul3A_302, %div3A_306 : vector<256x256xf32>
    %add3A_308 = arith.addf %mul3A_299, %div3A_307 : vector<256x256xf32>
    %broadcast_in_dim3A_309 = vector.shape_cast %gt3A_296 : vector<256x1xi1> to vector<256x1xi1>
    %broadcast_in_dim3A_310 = vector.broadcast %broadcast_in_dim3A_309 : vector<256x1xi1> to vector<256x256xi1>
    %select_n3A_311 = arith.select %broadcast_in_dim3A_310, %add3A_308, %slice3A_293 : vector<256x256xi1>, vector<256x256xf32>
    %swap3A_312 = arith.constant 768 : index
    %swap3A_313 = arith.constant 0 : index
    %swap3A_314 = vector.load %arg14[%swap3A_312, %swap3A_313] : memref<2048x256xf32, #tpu.memory_space<vmem>>, vector<256x256xf32>
    tpu.vector_store %arg14[%swap3A_312, %swap3A_313], %select_n3A_311 {strides = array<i32>} : memref<2048x256xf32, #tpu.memory_space<vmem>>, vector<256x256xf32>,
    %slice3A_315 = vector.extract_strided_slice %get3A_148 {offsets = [1024, 0], sizes = [256, 1], strides = [1, 1]} : vector<2048x1xi32> to vector<256x1xi32>
    %eq3A_316 = vector.broadcast %slice3A_315 : vector<256x1xi32> to vector<256x2048xi32>
    %eq3A_317 = vector.broadcast %select_n3A_172 : vector<1x2048xi32> to vector<256x2048xi32>
    %eq3A_318 = arith.cmpi eq, %eq3A_316, %eq3A_317 : vector<256x2048xi32>
    %convert_element_type3A_319 = arith.extui %eq3A_318 : vector<256x2048xi1> to vector<256x2048xi32>
    %reduce_sum3A_320 = arith.constant dense<0> : vector<256xi32>
    %reduce_sum3A_321 = vector.multi_reduction <add>, %convert_element_type3A_319, %reduce_sum3A_320 [1] : vector<256x2048xi32> to vector<256xi32>
    %broadcast_in_dim3A_322 = vector.shape_cast %reduce_sum3A_321 : vector<256xi32> to vector<256x1xi32>
    %convert_element_type3A_323 = arith.sitofp %broadcast_in_dim3A_322 : vector<256x1xi32> to vector<256x1xf32>
    %convert_element_type3A_324 = arith.extui %eq3A_318 : vector<256x2048xi1> to vector<256x2048xi32>
    %convert_element_type3A_325 = arith.sitofp %convert_element_type3A_324 : vector<256x2048xi32> to vector<256x2048xf32>
    %convert_element_type3A_326 = arith.truncf %convert_element_type3A_325 : vector<256x2048xf32> to vector<256x2048xbf16>
    %dot_general3A_327 = arith.constant dense<0.000000e+00> : vector<256x256xf32>
    %dot_general3A_328 = tpu.matmul %convert_element_type3A_326, %convert_element_type3A_173, %dot_general3A_327 {dimension_numbers = #tpu.dot_dimension_numbers<[1], [0], [0], [1], [0, 0, 1, 1], [], []>, transpose_lhs_hint = false} : vector<256x2048xbf16>, vector<2048x256xbf16>, vector<256x256xf32> -> vector<256x256xf32>
    %slice3A_329 = vector.extract_strided_slice %get3A_4 {offsets = [1024, 0], sizes = [256, 256], strides = [1, 1]} : vector<2048x256xf32> to vector<256x256xf32>
    %gt3A_330 = arith.constant 0.000000e+00 : f32
    %gt3A_331 = vector.broadcast %gt3A_330 : f32 to vector<256x1xf32>
    %gt3A_332 = arith.cmpf ogt, %convert_element_type3A_323, %gt3A_331 : vector<256x1xf32>
    %mul3A_333 = arith.constant 5.000000e-01 : f32
    %mul3A_334 = vector.broadcast %mul3A_333 : f32 to vector<256x256xf32>
    %mul3A_335 = arith.mulf %mul3A_334, %slice3A_329 : vector<256x256xf32>
    %mul3A_336 = arith.constant 5.000000e-01 : f32
    %mul3A_337 = vector.broadcast %mul3A_336 : f32 to vector<256x256xf32>
    %mul3A_338 = arith.mulf %mul3A_337, %dot_general3A_328 : vector<256x256xf32>
    %max3A_339 = arith.constant 1.000000e+00 : f32
    %max3A_340 = vector.broadcast %max3A_339 : f32 to vector<256x1xf32>
    %max3A_341 = arith.maximumf %convert_element_type3A_323, %max3A_340 : vector<256x1xf32>
    %div3A_342 = vector.broadcast %max3A_341 : vector<256x1xf32> to vector<256x256xf32>
    %div3A_343 = arith.divf %mul3A_338, %div3A_342 : vector<256x256xf32>
    %add3A_344 = arith.addf %mul3A_335, %div3A_343 : vector<256x256xf32>
    %broadcast_in_dim3A_345 = vector.shape_cast %gt3A_332 : vector<256x1xi1> to vector<256x1xi1>
    %broadcast_in_dim3A_346 = vector.broadcast %broadcast_in_dim3A_345 : vector<256x1xi1> to vector<256x256xi1>
    %select_n3A_347 = arith.select %broadcast_in_dim3A_346, %add3A_344, %slice3A_329 : vector<256x256xi1>, vector<256x256xf32>
    %swap3A_348 = arith.constant 1024 : index
    %swap3A_349 = arith.constant 0 : index
    %swap3A_350 = vector.load %arg14[%swap3A_348, %swap3A_349] : memref<2048x256xf32, #tpu.memory_space<vmem>>, vector<256x256xf32>
    tpu.vector_store %arg14[%swap3A_348, %swap3A_349], %select_n3A_347 {strides = array<i32>} : memref<2048x256xf32, #tpu.memory_space<vmem>>, vector<256x256xf32>,
    %slice3A_351 = vector.extract_strided_slice %get3A_148 {offsets = [1280, 0], sizes = [256, 1], strides = [1, 1]} : vector<2048x1xi32> to vector<256x1xi32>
    %eq3A_352 = vector.broadcast %slice3A_351 : vector<256x1xi32> to vector<256x2048xi32>
    %eq3A_353 = vector.broadcast %select_n3A_172 : vector<1x2048xi32> to vector<256x2048xi32>
    %eq3A_354 = arith.cmpi eq, %eq3A_352, %eq3A_353 : vector<256x2048xi32>
    %convert_element_type3A_355 = arith.extui %eq3A_354 : vector<256x2048xi1> to vector<256x2048xi32>
    %reduce_sum3A_356 = arith.constant dense<0> : vector<256xi32>
    %reduce_sum3A_357 = vector.multi_reduction <add>, %convert_element_type3A_355, %reduce_sum3A_356 [1] : vector<256x2048xi32> to vector<256xi32>
    %broadcast_in_dim3A_358 = vector.shape_cast %reduce_sum3A_357 : vector<256xi32> to vector<256x1xi32>
    %convert_element_type3A_359 = arith.sitofp %broadcast_in_dim3A_358 : vector<256x1xi32> to vector<256x1xf32>
    %convert_element_type3A_360 = arith.extui %eq3A_354 : vector<256x2048xi1> to vector<256x2048xi32>
    %convert_element_type3A_361 = arith.sitofp %convert_element_type3A_360 : vector<256x2048xi32> to vector<256x2048xf32>
    %convert_element_type3A_362 = arith.truncf %convert_element_type3A_361 : vector<256x2048xf32> to vector<256x2048xbf16>
    %dot_general3A_363 = arith.constant dense<0.000000e+00> : vector<256x256xf32>
    %dot_general3A_364 = tpu.matmul %convert_element_type3A_362, %convert_element_type3A_173, %dot_general3A_363 {dimension_numbers = #tpu.dot_dimension_numbers<[1], [0], [0], [1], [0, 0, 1, 1], [], []>, transpose_lhs_hint = false} : vector<256x2048xbf16>, vector<2048x256xbf16>, vector<256x256xf32> -> vector<256x256xf32>
    %slice3A_365 = vector.extract_strided_slice %get3A_4 {offsets = [1280, 0], sizes = [256, 256], strides = [1, 1]} : vector<2048x256xf32> to vector<256x256xf32>
    %gt3A_366 = arith.constant 0.000000e+00 : f32
    %gt3A_367 = vector.broadcast %gt3A_366 : f32 to vector<256x1xf32>
    %gt3A_368 = arith.cmpf ogt, %convert_element_type3A_359, %gt3A_367 : vector<256x1xf32>
    %mul3A_369 = arith.constant 5.000000e-01 : f32
    %mul3A_370 = vector.broadcast %mul3A_369 : f32 to vector<256x256xf32>
    %mul3A_371 = arith.mulf %mul3A_370, %slice3A_365 : vector<256x256xf32>
    %mul3A_372 = arith.constant 5.000000e-01 : f32
    %mul3A_373 = vector.broadcast %mul3A_372 : f32 to vector<256x256xf32>
    %mul3A_374 = arith.mulf %mul3A_373, %dot_general3A_364 : vector<256x256xf32>
    %max3A_375 = arith.constant 1.000000e+00 : f32
    %max3A_376 = vector.broadcast %max3A_375 : f32 to vector<256x1xf32>
    %max3A_377 = arith.maximumf %convert_element_type3A_359, %max3A_376 : vector<256x1xf32>
    %div3A_378 = vector.broadcast %max3A_377 : vector<256x1xf32> to vector<256x256xf32>
    %div3A_379 = arith.divf %mul3A_374, %div3A_378 : vector<256x256xf32>
    %add3A_380 = arith.addf %mul3A_371, %div3A_379 : vector<256x256xf32>
    %broadcast_in_dim3A_381 = vector.shape_cast %gt3A_368 : vector<256x1xi1> to vector<256x1xi1>
    %broadcast_in_dim3A_382 = vector.broadcast %broadcast_in_dim3A_381 : vector<256x1xi1> to vector<256x256xi1>
    %select_n3A_383 = arith.select %broadcast_in_dim3A_382, %add3A_380, %slice3A_365 : vector<256x256xi1>, vector<256x256xf32>
    %swap3A_384 = arith.constant 1280 : index
    %swap3A_385 = arith.constant 0 : index
    %swap3A_386 = vector.load %arg14[%swap3A_384, %swap3A_385] : memref<2048x256xf32, #tpu.memory_space<vmem>>, vector<256x256xf32>
    tpu.vector_store %arg14[%swap3A_384, %swap3A_385], %select_n3A_383 {strides = array<i32>} : memref<2048x256xf32, #tpu.memory_space<vmem>>, vector<256x256xf32>,
    %slice3A_387 = vector.extract_strided_slice %get3A_148 {offsets = [1536, 0], sizes = [256, 1], strides = [1, 1]} : vector<2048x1xi32> to vector<256x1xi32>
    %eq3A_388 = vector.broadcast %slice3A_387 : vector<256x1xi32> to vector<256x2048xi32>
    %eq3A_389 = vector.broadcast %select_n3A_172 : vector<1x2048xi32> to vector<256x2048xi32>
    %eq3A_390 = arith.cmpi eq, %eq3A_388, %eq3A_389 : vector<256x2048xi32>
    %convert_element_type3A_391 = arith.extui %eq3A_390 : vector<256x2048xi1> to vector<256x2048xi32>
    %reduce_sum3A_392 = arith.constant dense<0> : vector<256xi32>
    %reduce_sum3A_393 = vector.multi_reduction <add>, %convert_element_type3A_391, %reduce_sum3A_392 [1] : vector<256x2048xi32> to vector<256xi32>
    %broadcast_in_dim3A_394 = vector.shape_cast %reduce_sum3A_393 : vector<256xi32> to vector<256x1xi32>
    %convert_element_type3A_395 = arith.sitofp %broadcast_in_dim3A_394 : vector<256x1xi32> to vector<256x1xf32>
    %convert_element_type3A_396 = arith.extui %eq3A_390 : vector<256x2048xi1> to vector<256x2048xi32>
    %convert_element_type3A_397 = arith.sitofp %convert_element_type3A_396 : vector<256x2048xi32> to vector<256x2048xf32>
    %convert_element_type3A_398 = arith.truncf %convert_element_type3A_397 : vector<256x2048xf32> to vector<256x2048xbf16>
    %dot_general3A_399 = arith.constant dense<0.000000e+00> : vector<256x256xf32>
    %dot_general3A_400 = tpu.matmul %convert_element_type3A_398, %convert_element_type3A_173, %dot_general3A_399 {dimension_numbers = #tpu.dot_dimension_numbers<[1], [0], [0], [1], [0, 0, 1, 1], [], []>, transpose_lhs_hint = false} : vector<256x2048xbf16>, vector<2048x256xbf16>, vector<256x256xf32> -> vector<256x256xf32>
    %slice3A_401 = vector.extract_strided_slice %get3A_4 {offsets = [1536, 0], sizes = [256, 256], strides = [1, 1]} : vector<2048x256xf32> to vector<256x256xf32>
    %gt3A_402 = arith.constant 0.000000e+00 : f32
    %gt3A_403 = vector.broadcast %gt3A_402 : f32 to vector<256x1xf32>
    %gt3A_404 = arith.cmpf ogt, %convert_element_type3A_395, %gt3A_403 : vector<256x1xf32>
    %mul3A_405 = arith.constant 5.000000e-01 : f32
    %mul3A_406 = vector.broadcast %mul3A_405 : f32 to vector<256x256xf32>
    %mul3A_407 = arith.mulf %mul3A_406, %slice3A_401 : vector<256x256xf32>
    %mul3A_408 = arith.constant 5.000000e-01 : f32
    %mul3A_409 = vector.broadcast %mul3A_408 : f32 to vector<256x256xf32>
    %mul3A_410 = arith.mulf %mul3A_409, %dot_general3A_400 : vector<256x256xf32>
    %max3A_411 = arith.constant 1.000000e+00 : f32
    %max3A_412 = vector.broadcast %max3A_411 : f32 to vector<256x1xf32>
    %max3A_413 = arith.maximumf %convert_element_type3A_395, %max3A_412 : vector<256x1xf32>
    %div3A_414 = vector.broadcast %max3A_413 : vector<256x1xf32> to vector<256x256xf32>
    %div3A_415 = arith.divf %mul3A_410, %div3A_414 : vector<256x256xf32>
    %add3A_416 = arith.addf %mul3A_407, %div3A_415 : vector<256x256xf32>
    %broadcast_in_dim3A_417 = vector.shape_cast %gt3A_404 : vector<256x1xi1> to vector<256x1xi1>
    %broadcast_in_dim3A_418 = vector.broadcast %broadcast_in_dim3A_417 : vector<256x1xi1> to vector<256x256xi1>
    %select_n3A_419 = arith.select %broadcast_in_dim3A_418, %add3A_416, %slice3A_401 : vector<256x256xi1>, vector<256x256xf32>
    %swap3A_420 = arith.constant 1536 : index
    %swap3A_421 = arith.constant 0 : index
    %swap3A_422 = vector.load %arg14[%swap3A_420, %swap3A_421] : memref<2048x256xf32, #tpu.memory_space<vmem>>, vector<256x256xf32>
    tpu.vector_store %arg14[%swap3A_420, %swap3A_421], %select_n3A_419 {strides = array<i32>} : memref<2048x256xf32, #tpu.memory_space<vmem>>, vector<256x256xf32>,
    %slice3A_423 = vector.extract_strided_slice %get3A_148 {offsets = [1792, 0], sizes = [256, 1], strides = [1, 1]} : vector<2048x1xi32> to vector<256x1xi32>
    %eq3A_424 = vector.broadcast %slice3A_423 : vector<256x1xi32> to vector<256x2048xi32>
    %eq3A_425 = vector.broadcast %select_n3A_172 : vector<1x2048xi32> to vector<256x2048xi32>
    %eq3A_426 = arith.cmpi eq, %eq3A_424, %eq3A_425 : vector<256x2048xi32>
    %convert_element_type3A_427 = arith.extui %eq3A_426 : vector<256x2048xi1> to vector<256x2048xi32>
    %reduce_sum3A_428 = arith.constant dense<0> : vector<256xi32>
    %reduce_sum3A_429 = vector.multi_reduction <add>, %convert_element_type3A_427, %reduce_sum3A_428 [1] : vector<256x2048xi32> to vector<256xi32>
    %broadcast_in_dim3A_430 = vector.shape_cast %reduce_sum3A_429 : vector<256xi32> to vector<256x1xi32>
    %convert_element_type3A_431 = arith.sitofp %broadcast_in_dim3A_430 : vector<256x1xi32> to vector<256x1xf32>
    %convert_element_type3A_432 = arith.extui %eq3A_426 : vector<256x2048xi1> to vector<256x2048xi32>
    %convert_element_type3A_433 = arith.sitofp %convert_element_type3A_432 : vector<256x2048xi32> to vector<256x2048xf32>
    %convert_element_type3A_434 = arith.truncf %convert_element_type3A_433 : vector<256x2048xf32> to vector<256x2048xbf16>
    %dot_general3A_435 = arith.constant dense<0.000000e+00> : vector<256x256xf32>
    %dot_general3A_436 = tpu.matmul %convert_element_type3A_434, %convert_element_type3A_173, %dot_general3A_435 {dimension_numbers = #tpu.dot_dimension_numbers<[1], [0], [0], [1], [0, 0, 1, 1], [], []>, transpose_lhs_hint = false} : vector<256x2048xbf16>, vector<2048x256xbf16>, vector<256x256xf32> -> vector<256x256xf32>
    %slice3A_437 = vector.extract_strided_slice %get3A_4 {offsets = [1792, 0], sizes = [256, 256], strides = [1, 1]} : vector<2048x256xf32> to vector<256x256xf32>
    %gt3A_438 = arith.constant 0.000000e+00 : f32
    %gt3A_439 = vector.broadcast %gt3A_438 : f32 to vector<256x1xf32>
    %gt3A_440 = arith.cmpf ogt, %convert_element_type3A_431, %gt3A_439 : vector<256x1xf32>
    %mul3A_441 = arith.constant 5.000000e-01 : f32
    %mul3A_442 = vector.broadcast %mul3A_441 : f32 to vector<256x256xf32>
    %mul3A_443 = arith.mulf %mul3A_442, %slice3A_437 : vector<256x256xf32>
    %mul3A_444 = arith.constant 5.000000e-01 : f32
    %mul3A_445 = vector.broadcast %mul3A_444 : f32 to vector<256x256xf32>
    %mul3A_446 = arith.mulf %mul3A_445, %dot_general3A_436 : vector<256x256xf32>
    %max3A_447 = arith.constant 1.000000e+00 : f32
    %max3A_448 = vector.broadcast %max3A_447 : f32 to vector<256x1xf32>
    %max3A_449 = arith.maximumf %convert_element_type3A_431, %max3A_448 : vector<256x1xf32>
    %div3A_450 = vector.broadcast %max3A_449 : vector<256x1xf32> to vector<256x256xf32>
    %div3A_451 = arith.divf %mul3A_446, %div3A_450 : vector<256x256xf32>
    %add3A_452 = arith.addf %mul3A_443, %div3A_451 : vector<256x256xf32>
    %broadcast_in_dim3A_453 = vector.shape_cast %gt3A_440 : vector<256x1xi1> to vector<256x1xi1>
    %broadcast_in_dim3A_454 = vector.broadcast %broadcast_in_dim3A_453 : vector<256x1xi1> to vector<256x256xi1>
    %select_n3A_455 = arith.select %broadcast_in_dim3A_454, %add3A_452, %slice3A_437 : vector<256x256xi1>, vector<256x256xf32>
    %swap3A_456 = arith.constant 1792 : index
    %swap3A_457 = arith.constant 0 : index
    %swap3A_458 = vector.load %arg14[%swap3A_456, %swap3A_457] : memref<2048x256xf32, #tpu.memory_space<vmem>>, vector<256x256xf32>
    tpu.vector_store %arg14[%swap3A_456, %swap3A_457], %select_n3A_455 {strides = array<i32>} : memref<2048x256xf32, #tpu.memory_space<vmem>>, vector<256x256xf32>,
    return
  }
}

</mosaic_0001>

<sc_bundles>
// kernel: kernel.12.cloned.1.call-start
scs
__scs_entry_jumppad:
0x0: {  	(pc) =	sbr.rel $0x88, $3  }
0x1: {  	(tag) =	ssettag $0x0;
	lr =	simm.s32 $0x1  }
0x2: {  	[smem:$0x3F95] =	sst lr;
	_ =	strace $0xD0000000  }
0x3: {  	_ = 	snop  }
0x4: {  	_ = 	snop  }
0x5: {  	_ = 	snop  }
0x6: {  	_ = 	snop  }
0x7: {  	_ = 	snop  }
__scs_overlays_trampoline_lowered:
0x8: {  	[smem:$0x3FA4] =	sst s0  }
0x9: {  	[smem:$0x3FA5] =	sst s1  }
0xa: {  	[smem:$0x3FA6] =	sst s2  }
0xb: {  	[smem:$0x3FA7] =	sst s3  }
0xc: {  	[smem:$0x3FA8] =	sst s4  }
0xd: {  	[smem:$0x3FA9] =	sst s5  }
0xe: {  	[smem:$0x3FAA] =	sst s6  }
0xf: {  	[smem:$0x3FAB] =	sst s7  }
0x10: {  	[smem:$0x3FAC] =	sst s8  }
0x11: {  	[smem:$0x3FAD] =	sst s9;
	s0 =	simm.s32 @!p0 $0x0  }
0x12: {  	s1 =	sld [smem:$0x3F93];
	s0 =	simm.s32 @p0 $0x1  }
0x13: {  	[smem:$0x3FAE] =	sst s0;
	s0 =	simm.s32 @!p1 $0x0  }
0x14: {  	s2 =	sld [smem:$0x3F92];
	s0 =	simm.s32 @p1 $0x1  }
0x15: {  	[smem:$0x3FAF] =	sst s0;
	s0 =	simm.s32 @!p2 $0x0  }
0x16: {  	s3 =	sld [smem:$0x3FDB];
	s0 =	simm.s32 @p2 $0x1  }
0x17: {  	s4 =	simm.s32 $0x1BF5;
	[smem:$0x3FB1] =	sst s0  }
0x18: {  	s0 =	sld [smem:$0x3F94];
	_ =	swait.ge [sflag:s4], $0x0  }
0x19: {  	s7 =	sld [smem:$0x3F95]  }
0x1a: {  	s8 =	sadd.s32 $0xFFFFE003, lr  }
0x1b: {  	s9 =	sadd.s32 $0xFFFFFEF7, lr;
	s5 =	simm.s32 $0xFFFFFFFF;
	p2 =	slt.u32 s8, $0xFFFFF086  }
0x1c: {  	p1 =	slt.u32 s9, $0xF7A;
	s5 =	simm.s32 @!p2 $0x0  }
0x1d: {  	s5 =	simm.s32 @p1 $0x1;
	p0 =	seq.s32 s7, s2  }
0x1e: {  	s7 =	smul.u32 @!p0 $0xF7A, s2;
	p2 =	seq.s32 @!p0 s5, $0x0  }
0x1f: {  	s9 =	smul.u32 $0xF7A, s1;
	s8 =	simm.s32 @!p0 $0x1BF5;
	p2 =	por !p2, p0  }
0x20: {  	[sflag:s8] =	ssyncset.s32 @!p0 $0xFFFFF086;
	s6 =	sadd.s32 @!p0 s3, s7;
	s7 =	simm.s32 @!p0 $0x108  }
0x21: {  	s3 =	sadd.s32 s3, s9;
	s6 =	sadd.s32 @!p0 $0x88, s6;
	s7 =	simm.s32 @p2 $0x1082  }
0x22: {  	[simem:s7], [sflag:s8] =	dma.local @!p0 [hbm:s6], $0xF7A  }
0x23: {  	s9 =	sor.u32 $0xD0000000, s2;
	s6 =	simm.s32 $0x108;
	_ =	swait.ge @!p0 [sflag:s8], $0x0  }
0x24: {  	s3 =	sadd.s32 $0x88, s3;
	s6 =	simm.s32 @!p1 $0x1082;
	[sflag:s4] =	ssyncset.s32 $0xFFFFF086  }
0x25: {  	[simem:s6], [sflag:s4] =	dma.local [hbm:s3], $0xF7A  }
0x26: {  	[smem:$0x3F95] =	sst s1;
	(tag) =	ssettag s2;
	_ =	strace s9  }
0x27: {  	s1 =	sld [smem:$0x3FA5]  }
0x28: {  	s2 =	sld [smem:$0x3FA6]  }
0x29: {  	s4 =	sld [smem:$0x3FA8]  }
0x2a: {  	p0 =	seq.s32 s5, $0x0;
	s5 =	sld [smem:$0x3FA9]  }
0x2b: {  	s6 =	sld [smem:$0x3FAA]  }
0x2c: {  	s7 =	sld [smem:$0x3FAB]  }
0x2d: {  	s3 =	simm.s32 $0x108;
	s8 =	sld [smem:$0x3FAC]  }
0x2e: {  	s3 =	simm.s32 @!p0 $0x1082;
	s9 =	sld [smem:$0x3FAD]  }
0x2f: {  	lr =	sadd.s32 s0, s3;
	s0 =	sld [smem:$0x3FA4]  }
0x30: {  	s3 =	sld [smem:$0x3FA7]  }
0x31: {  	[smem:$0x3FB0] =	sst s10  }
0x32: {  	s10 =	sld [smem:$0x3FAE];
	_ =	sdelay $0x3  }
0x33: {  	p0 =	seq.s32 s10, $0x1;
	s10 =	sld [smem:$0x3FB0];
	_ =	sdelay $0x3  }
0x34: {  	[smem:$0x3FB0] =	sst s10  }
0x35: {  	s10 =	sld [smem:$0x3FAF];
	_ =	sdelay $0x3  }
0x36: {  	p1 =	seq.s32 s10, $0x1;
	s10 =	sld [smem:$0x3FB0];
	_ =	sdelay $0x3  }
0x37: {  	[smem:$0x3FB0] =	sst s10  }
0x38: {  	s10 =	sld [smem:$0x3FB1]  }
0x39: {  	_ = 	snop;
	(pc) =	sbr.ind lr, $3  }
0x3a: {  	_ = 	snop  }
0x3b: {  	_ = 	snop  }
0x3c: {  	p2 =	seq.s32 s10, $0x1;
	s10 =	sld [smem:$0x3FB0]  }
0x3d: {  	_ =	shalt  }
0x3e: {  	_ =	shalt  }
0x3f: {  	_ =	shalt  }
0x40: {  	_ =	shalt  }
0x41: {  	_ =	shalt  }
0x42: {  	_ =	shalt  }
0x43: {  	_ =	shalt  }
0x44: {  	_ =	shalt  }
0x45: {  	_ =	shalt  }
0x46: {  	_ =	shalt  }
0x47: {  	_ =	shalt  }
0x48: {  	_ =	shalt  }
0x49: {  	_ =	shalt  }
0x4a: {  	_ =	shalt  }
0x4b: {  	_ =	shalt  }
0x4c: {  	_ =	shalt  }
0x4d: {  	_ =	shalt  }
0x4e: {  	_ =	shalt  }
0x4f: {  	_ =	shalt  }
0x50: {  	_ =	shalt  }
0x51: {  	_ =	shalt  }
0x52: {  	_ =	shalt  }
0x53: {  	_ =	shalt  }
0x54: {  	_ =	shalt  }
0x55: {  	_ =	shalt  }
0x56: {  	_ =	shalt  }
0x57: {  	_ =	shalt  }
0x58: {  	_ =	shalt  }
0x59: {  	_ =	shalt  }
0x5a: {  	_ =	shalt  }
0x5b: {  	_ =	shalt  }
0x5c: {  	_ =	shalt  }
0x5d: {  	_ =	shalt  }
0x5e: {  	_ =	shalt  }
0x5f: {  	_ =	shalt  }
0x60: {  	_ =	shalt  }
0x61: {  	_ =	shalt  }
0x62: {  	_ =	shalt  }
0x63: {  	_ =	shalt  }
0x64: {  	_ =	shalt  }
0x65: {  	_ =	shalt  }
0x66: {  	_ =	shalt  }
0x67: {  	_ =	shalt  }
0x68: {  	_ =	shalt  }
0x69: {  	_ =	shalt  }
0x6a: {  	_ =	shalt  }
0x6b: {  	_ =	shalt  }
0x6c: {  	_ =	shalt  }
0x6d: {  	_ =	shalt  }
0x6e: {  	_ =	shalt  }
0x6f: {  	_ =	shalt  }
0x70: {  	_ =	shalt  }
0x71: {  	_ =	shalt  }
0x72: {  	_ =	shalt  }
0x73: {  	_ =	shalt  }
0x74: {  	_ =	shalt  }
0x75: {  	_ =	shalt  }
0x76: {  	_ =	shalt  }
0x77: {  	_ =	shalt  }
0x78: {  	_ =	shalt  }
0x79: {  	_ =	shalt  }
0x7a: {  	_ =	shalt  }
0x7b: {  	_ =	shalt  }
0x7c: {  	_ =	shalt  }
0x7d: {  	_ =	shalt  }
0x7e: {  	_ =	shalt  }
0x7f: {  	_ =	shalt  }
0x80: {  	_ =	shalt  }
0x81: {  	_ =	shalt  }
0x82: {  	_ =	shalt  }
0x83: {  	_ =	shalt  }
0x84: {  	_ =	shalt  }
0x85: {  	_ =	shalt  }
0x86: {  	_ =	shalt  }
0x87: {  	_ =	shalt  }
.Lfunc_end0:
.L_simem_size_0:
called_computation.2_lowered:
.L_overlay_start_0:
0x88: {  	s2 =	sld [smem:$0x3FD9]  }
0x89: {  	s3 =	sld [smem:$0x3FFE];
	_ =	sdelay $0x1  }
0x8a: {  	s1 =	srdreg.scid  }
0x8b: {  	s0 =	sand.u32 $0x1, s1  }
0x8c: {  	s14 =	sshll.u32 s0, $0xA;
	s2 =	sadd.s32 s3, s2  }
0x8d: {  	s2 =	sadd.s32 s2, s14  }
0x8e: {  	[smem:$0x3FBC] =	sst s2  }
0x8f: {  	_ = 	snop  }
0x90: {  	s2 =	sld [smem:$0x3FD0];
	_ =	sdelay $0x2  }
0x91: {  	s4 =	simm.s32 $0xB;
	s5 =	simm.s32 $0x10;
	s15 =	sld [smem:$0x3FC8]  }
0x92: {  	[smem:s5], [sflag:s4] =	dma.local [hbm:s2], $0x1  }
0x93: {  	_ =	swait.eq [sflag:s4], $0x1  }
0x94: {  	[sflag:s4] =	ssyncset.done $0x0  }
0x95: {  	[sflag:s4] =	ssyncadd.s32 $0xFFFFFFFF  }
0x96: {  	s16 =	sld [smem:$0x11];
	(tm) =	ssettm $0x1  }
0x97: {  	s17 =	sld [smem:$0x3FFB];
	_ =	sdelay $0x3  }
0x98: {  	_ =	strace s17  }
0x99: {  	s4 =	sld [smem:$0x3FFC];
	_ =	sdelay $0x3  }
0x9a: {  	_ =	strace s4  }
0x9b: {  	s4 =	sld [smem:$0x3FFD];
	_ =	sdelay $0x3  }
0x9c: {  	_ =	strace s4  }
0x9d: {  	_ =	strace $0x8FFFFFFF  }
0x9e: {  	s18 =	sld [smem:$0x3FDB];
	_ =	sdelay $0x1  }
0x9f: {  	s19 =	simm.s32 $_scs_section_size  }
0xa0: {  	s6 =	simm.s32 $_size__tile_overlayer_lowered;
	s7 =	simm.s32 $_tile_overlayer_lowered  }
0xa1: {  	s22 =	simm.s32 $0x1BFF;
	s21 =	sshll.u32 s7, $0x1;
	s4 =	sadd.s32 s19, s18  }
0xa2: {  	s8 =	simm.s32 $0x0;
	s20 =	sshll.u32 s6, $0x1;
	s6 =	sadd.s32 s21, s4  }
0xa3: {  	[timem:s8], [sflag:s22] =	dma.local [hbm:s6], s20  }
0xa4: {  	_ =	swait.ge [sflag:s22], s20  }
0xa5: {  	s5 =	ssub.s32 $0x0, s20;
	[sflag:s22] =	ssyncset.done $0x0  }
0xa6: {  	[sflag:s22] =	ssyncadd.s32 s5;
	_ =	sdelay $0x1  }
0xa7: {  	s23 =	simm.s32 $0x1B8B  }
0xa8: {  	_ =	swait.ge [sflag:s23], $0x1  }
0xa9: {  	[sflag:s23] =	ssyncset.done $0x0  }
0xaa: {  	s25 =	simm.s32 $0x1B8E;
	s24 =	sld [smem:$0x3FFE];
	[sflag:s23] =	ssyncadd.s32 $0xFFFFFFFF  }
0xab: {  	s26 =	simm.s32 $execute0_lowered;
	[smem:$0x3FD2] =	sst s25  }
0xac: {  	s6 =	sshll.u32 s26, $0x1;
	_ =	strace $0x8000004C;
	[dreg:$0x1] =	wrdreg $0xFFFFFFFF  }
0xad: {  	s28 =	simm.s32 $_size_execute0_lowered;
	s4 =	sadd.s32 s4, s6;
	[dreg:$0x0] =	wrdreg $0x0  }
0xae: {  	s6 =	sshll.u32 s28, $0x1;
	[dreg:$0x2] =	wrdreg s4  }
0xaf: {  	[dreg:$0x3] =	wrdreg s6  }
0xb0: {  	[dreg:$0x4] =	wrdreg $0xC0  }
0xb1: {  	_ =	task [dreg:s8], $0x5FFFF  }
0xb2: {  	[dreg:$0x1] =	wrdreg $0xFFFFFFFF  }
0xb3: {  	[dreg:$0x0] =	wrdreg $0x60  }
0xb4: {  	[dreg:$0x2] =	wrdreg s16  }
0xb5: {  	[dreg:$0x3] =	wrdreg s15  }
0xb6: {  	[dreg:$0x4] =	wrdreg s24  }
0xb7: {  	[dreg:$0x5] =	wrdreg $0x9  }
0xb8: {  	_ =	task.clear_ibuf [dreg:s8], $0x6FFFF;
	_ =	strace $0x9000004C  }
0xb9: {  	s29 =	simm.s32 $0x9;
	_ =	strace $0x8000004E  }
0xba: {  	_ =	swait.ge [sflag:s29], $0x1  }
0xbb: {  	[sflag:s29] =	ssyncadd.s32 $0xFFFFFFFF  }
0xbc: {  	_ =	strace $0x9000004E  }
0xbd: {  	_ =	sfence  }
0xbe: {  	s30 =	sld [smem:$0x0];
	_ =	sdelay $0x2  }
0xbf: {  	s31 =	sshll.u32 s1, $0xD;
	s1 =	sshrl.u32 s1, $0x2  }
0xc0: {  	s3 =	sand.u32 $0x4000, s31;
	s1 =	sadd.s32 s1, s30  }
0xc1: {  	s0 =	sor.u32 s3, s0;
	s1 =	sshll.u32 s1, $0x11  }
0xc2: {  	s0 =	sor.u32 s1, s0  }
0xc3: {  	s0 =	sadd.s32 $0x8F2B, s0  }
0xc4: {  	[sflag:s0] =	ssyncadd.remote.s32 $0x1  }
0xc5: {  	_ =	sfence.sel $0xFFFF  }
0xc6: {  	[dreg:$0x0] =	wrdreg $0xFFFFFFFF;
	(pc) =	sbr.abs _section_cstart, $3  }
0xc7: {  	[dreg:$0x1] =	wrdreg $0xFFFFFFFF  }
0xc8: {  	_ =	task.clear_ibuf [dreg:s8], $0x2FFFF;
	_ =	strace $0x9FFFFFFF  }
0xc9: {  	(tm) =	ssettm $0x7FFFFFFF  }
tec
execute0_lowered:
.L_overlay_start_1:
0x0: {  	(tag) =	ssettag $0x1  }
0x1: {  	s1 =	rddreg [dreg:$0x0]  }
0x2: {  	s4 =	rddreg [dreg:$0x1]  }
0x3: {  	s5 =	rddreg [dreg:$0x2]  }
0x4: {  	s0 =	rddreg [dreg:$0x3];
	s6 =	srdreg.scid  }
0x5: {  	s3 =	simm.s32 $0x0;
	s2 =	stileid.u32;
	s10 =	simm.s32 $0x1080  }
0x6: {  	s11 =	simm.s32 $0x1880;
	s12 =	simm.s32 $0x2080;
	s13 =	simm.s32 $0x2880  }
0x7: {  	s14 =	simm.s32 $0x3080;
	s15 =	simm.s32 $0x3880;
	s6 =	sand.u32 $0x1, s6  }
0x8: {  	s16 =	simm.s32 $0x1;
	s7 =	sshll.u32 s2, $0x7;
	s8 =	sshll.u32 s6, $0x6  }
0x9: {  	[smem:$0x7FF] =	sst s3;
	s6 =	ssub.s32 $0x2, s6;
	s7 =	sor.u32 s8, s7  }
0xa: {  	_ =	strace $0x8000004D;
	s9 =	sshrl.u32 s6, $0x1;
	s8 =	sshll.u32 s7, $0x5  }
0xb: {  	v2 =	vlaneseq.u32;
	s7 =	sshrl.u32 s7, $0x3;
	s6 =	ssub.s32 s6, s9;
	s9 =	simm.s32 $0x880  }
0xc: {  	vm0 =	vmmov $0xffff;
	v1 =	vshrl.u32 v2, $0x3;
	s5 =	sadd.s32 s8, s5;
	s4 =	sadd.s32 s4, s7;
	s6 =	smax.u32 s6, $0x1  }
0xd: {  	v0 =	vand.u32 $0x7, v2;
	v2 =	vor.u32 $0x8, v2;
	v1 =	vmul.u32 $0x8, v1;
	s7 =	simm.s32 $0x2;
	s8 =	simm.s32 $0x80;
	s5 =	sadd.s32 $0x3400, s5  }
.LBB2_1:
0xe: {  	[tilespmem:s3], [sflag:$0x2] =	stream.linear.gather [hbm4b:s4+s3], $0x40, $0x38;
	[tilespmem:$0x4080] =	vst v63  }
0xf: {  	_ =	swait.ge [sflag:s7], $0x40  }
0x10: {  	[sflag:s7] =	ssyncset.done $0x0  }
0x11: {  	[sflag:s7] =	ssyncadd.s32 $0xFFFFFFC0  }
0x12: {  	[tilespmem:s8], [sflag:$0x2] =	stream.linear.gather [hbm4b:s5+s3], $0x4000, $0x38;
	[tilespmem:$0x4080] =	vst v63  }
0x13: {  	_ =	swait.ge [sflag:s7], $0x4000  }
0x14: {  	[sflag:s7] =	ssyncset.done $0x0  }
0x15: {  	[sflag:s7] =	ssyncadd.s32 $0xFFFFC000  }
0x16: {  	v3 =	vld [tilespmem:$0x0];
	_ =	sdelay $0x4  }
0x17: {  	v4 =	vshll.u32 v3, $0x1  }
0x18: {  	v3 =	vand.u32 $0x7, v3;
	v4 =	vand.u32 $0xFFFFFFF0, v4  }
0x19: {  	v3 =	vor.u32 v3, v4  }
0x1a: {  	v4 =	vperm.xlane v3, v0;
	_ =	sdelay $0x1  }
0x1b: {  	v3 =	vperm.xlane v3, v2;
	v4 =	vadd.s32 v1, v4;
	_ =	sdelay $0x1  }
0x1c: {  	v3 =	vadd.s32 v1, v3;
	_ =	sdelay $0x2  }
0x1d: {  	[hbm4b:s1+s3] =	stream.indirect_vreg.scatter [tilespmem:s8], [sflag:$0x1], $0x80, v4, vm0, $0xb8;
	[tilespmem:$0x4080] =	vst v63  }
0x1e: {  	_ = 	snop  }
0x1f: {  	[hbm4b:s1+s3] =	stream.indirect_vreg.scatter [tilespmem:s9], [sflag:$0x1], $0x80, v3, vm0, $0xb8;
	[tilespmem:$0x4080] =	vst v63  }
0x20: {  	v3 =	vld [tilespmem:$0x10];
	_ =	sdelay $0x4  }
0x21: {  	v61 =	vshll.u32 v3, $0x1  }
0x22: {  	v3 =	vand.u32 $0x7, v3;
	v4 =	vand.u32 $0xFFFFFFF0, v61  }
0x23: {  	v3 =	vor.u32 v3, v4  }
0x24: {  	v4 =	vperm.xlane v3, v0;
	_ =	sdelay $0x1  }
0x25: {  	v3 =	vperm.xlane v3, v2;
	v4 =	vadd.s32 v1, v4;
	_ =	sdelay $0x1  }
0x26: {  	v3 =	vadd.s32 v1, v3;
	_ =	sdelay $0x2  }
0x27: {  	[hbm4b:s1+s3] =	stream.indirect_vreg.scatter [tilespmem:s10], [sflag:$0x1], $0x80, v4, vm0, $0xb8;
	[tilespmem:$0x4080] =	vst v63  }
0x28: {  	_ = 	snop  }
0x29: {  	[hbm4b:s1+s3] =	stream.indirect_vreg.scatter [tilespmem:s11], [sflag:$0x1], $0x80, v3, vm0, $0xb8;
	[tilespmem:$0x4080] =	vst v63  }
0x2a: {  	v3 =	vld [tilespmem:$0x20];
	_ =	sdelay $0x4  }
0x2b: {  	v62 =	vshll.u32 v3, $0x1  }
0x2c: {  	v3 =	vand.u32 $0x7, v3;
	v4 =	vand.u32 $0xFFFFFFF0, v62  }
0x2d: {  	v3 =	vor.u32 v3, v4  }
0x2e: {  	v4 =	vperm.xlane v3, v0;
	_ =	sdelay $0x1  }
0x2f: {  	v3 =	vperm.xlane v3, v2;
	v4 =	vadd.s32 v1, v4;
	_ =	sdelay $0x1  }
0x30: {  	v3 =	vadd.s32 v1, v3;
	_ =	sdelay $0x2  }
0x31: {  	[hbm4b:s1+s3] =	stream.indirect_vreg.scatter [tilespmem:s12], [sflag:$0x1], $0x80, v4, vm0, $0xb8;
	[tilespmem:$0x4080] =	vst v63  }
0x32: {  	_ = 	snop  }
0x33: {  	[hbm4b:s1+s3] =	stream.indirect_vreg.scatter [tilespmem:s13], [sflag:$0x1], $0x80, v3, vm0, $0xb8;
	[tilespmem:$0x4080] =	vst v63  }
0x34: {  	v3 =	vld [tilespmem:$0x30];
	_ =	sdelay $0x4  }
0x35: {  	v63 =	vshll.u32 v3, $0x1  }
0x36: {  	v3 =	vand.u32 $0x7, v3;
	v4 =	vand.u32 $0xFFFFFFF0, v63  }
0x37: {  	v3 =	vor.u32 v3, v4  }
0x38: {  	v4 =	vperm.xlane v3, v0;
	_ =	sdelay $0x1  }
0x39: {  	v3 =	vperm.xlane v3, v2;
	v4 =	vadd.s32 v1, v4;
	_ =	sdelay $0x1  }
0x3a: {  	v3 =	vadd.s32 v1, v3;
	_ =	sdelay $0x1  }
0x3b: {  	p0 =	sne.s32 s6, $0x1  }
0x3c: {  	[hbm4b:s1+s3] =	stream.indirect_vreg.scatter [tilespmem:s14], [sflag:$0x1], $0x80, v4, vm0, $0xb8;
	[tilespmem:$0x4080] =	vst v63  }
.Ltmp0:
0x3d: {  	_ = 	snop;
	(pc) =	sbr.rel @p0 .LBB2_1-.Ltmp0, $4  }
0x3e: {  	[hbm4b:s1+s3] =	stream.indirect_vreg.scatter [tilespmem:s15], [sflag:$0x1], $0x80, v3, vm0, $0xb8;
	[tilespmem:$0x4080] =	vst v63  }
0x3f: {  	_ =	swait.ge [sflag:s16], $0x4000  }
0x40: {  	[sflag:s16] =	ssyncset.done $0x0  }
0x41: {  	s6 =	sadd.s32 $0xFFFFFFFF, s6;
	[sflag:s16] =	ssyncadd.s32 $0xFFFFC000  }
0x42: {  	_ =	sfence.sel $0x180000  }
0x43: {  	[bflag:$0x0] =	sbarrier.arrive $0xFFFF  }
0x44: {  	p0 =	sne.s32 s2, $0x0;
	_ =	strace $0x9000004D  }
0x45: {  	s0 =	sadd.s32 @!p0 $0x100000, s0;
	[bflag:$0x2] =	sbarrier.arrive $0xFFFF  }
0x46: {  	[sflag:s0] =	ssyncadd.tile.s32 @!p0 $0x1;
	_ =	shalt  }
.Lfunc_end2:
_tile_overlayer_lowered:
.L_overlay_start_2:
0x47: {  	(tag) =	ssettag $0x2  }
0x48: {  	s0 =	rddreg [dreg:$0x0];
	s2 =	stileid.u32  }
0x49: {  	s1 =	rddreg [dreg:$0x1];
	p0 =	sne.s32 s2, $0x0  }
0x4a: {  	s3 =	rddreg [dreg:$0x2];
	[bflag:$0x3] =	sbarrier.arrive $0xFFFF;
	s2 =	simm.s32 @!p0 $0x1C02  }
0x4b: {  	[timem:s3], [sflag:s2] =	dma.local @!p0 [hbm:s0], s1  }
0x4c: {  	s0 =	simm.s32 @!p0 $0x2  }
0x4d: {  	_ =	swait.ge @!p0 [sflag:s0], s1  }
0x4e: {  	s1 =	ssub.s32 @!p0 $0x0, s1;
	[sflag:s0] =	ssyncset.done @!p0 $0x0  }
0x4f: {  	[sflag:s0] =	ssyncadd.s32 @!p0 s1  }
0x50: {  	[bflag:$0x3] =	sbarrier.arrive $0xFFFF  }
0x51: {  	_ =	shalt  }

// kernel: kernel.6.cloned.1.call-start
scs
__scs_entry_jumppad:
0x0: {  	(pc) =	sbr.rel $0x88, $3  }
0x1: {  	(tag) =	ssettag $0x0;
	lr =	simm.s32 $0x1  }
0x2: {  	[smem:$0x3F95] =	sst lr;
	_ =	strace $0xD0000000  }
0x3: {  	_ = 	snop  }
0x4: {  	_ = 	snop  }
0x5: {  	_ = 	snop  }
0x6: {  	_ = 	snop  }
0x7: {  	_ = 	snop  }
__scs_overlays_trampoline_lowered:
0x8: {  	[smem:$0x3FA4] =	sst s0  }
0x9: {  	[smem:$0x3FA5] =	sst s1  }
0xa: {  	[smem:$0x3FA6] =	sst s2  }
0xb: {  	[smem:$0x3FA7] =	sst s3  }
0xc: {  	[smem:$0x3FA8] =	sst s4  }
0xd: {  	[smem:$0x3FA9] =	sst s5  }
0xe: {  	[smem:$0x3FAA] =	sst s6  }
0xf: {  	[smem:$0x3FAB] =	sst s7  }
0x10: {  	[smem:$0x3FAC] =	sst s8  }
0x11: {  	[smem:$0x3FAD] =	sst s9;
	s0 =	simm.s32 @!p0 $0x0  }
0x12: {  	s1 =	sld [smem:$0x3F93];
	s0 =	simm.s32 @p0 $0x1  }
0x13: {  	[smem:$0x3FAE] =	sst s0;
	s0 =	simm.s32 @!p1 $0x0  }
0x14: {  	s2 =	sld [smem:$0x3F92];
	s0 =	simm.s32 @p1 $0x1  }
0x15: {  	[smem:$0x3FAF] =	sst s0;
	s0 =	simm.s32 @!p2 $0x0  }
0x16: {  	s3 =	sld [smem:$0x3FDB];
	s0 =	simm.s32 @p2 $0x1  }
0x17: {  	s4 =	simm.s32 $0x1BF5;
	[smem:$0x3FB1] =	sst s0  }
0x18: {  	s0 =	sld [smem:$0x3F94];
	_ =	swait.ge [sflag:s4], $0x0  }
0x19: {  	s7 =	sld [smem:$0x3F95]  }
0x1a: {  	s8 =	sadd.s32 $0xFFFFE003, lr  }
0x1b: {  	s9 =	sadd.s32 $0xFFFFFEF7, lr;
	s5 =	simm.s32 $0xFFFFFFFF;
	p2 =	slt.u32 s8, $0xFFFFF086  }
0x1c: {  	p1 =	slt.u32 s9, $0xF7A;
	s5 =	simm.s32 @!p2 $0x0  }
0x1d: {  	s5 =	simm.s32 @p1 $0x1;
	p0 =	seq.s32 s7, s2  }
0x1e: {  	s7 =	smul.u32 @!p0 $0xF7A, s2;
	p2 =	seq.s32 @!p0 s5, $0x0  }
0x1f: {  	s9 =	smul.u32 $0xF7A, s1;
	s8 =	simm.s32 @!p0 $0x1BF5;
	p2 =	por !p2, p0  }
0x20: {  	[sflag:s8] =	ssyncset.s32 @!p0 $0xFFFFF086;
	s6 =	sadd.s32 @!p0 s3, s7;
	s7 =	simm.s32 @!p0 $0x108  }
0x21: {  	s3 =	sadd.s32 s3, s9;
	s6 =	sadd.s32 @!p0 $0x88, s6;
	s7 =	simm.s32 @p2 $0x1082  }
0x22: {  	[simem:s7], [sflag:s8] =	dma.local @!p0 [hbm:s6], $0xF7A  }
0x23: {  	s9 =	sor.u32 $0xD0000000, s2;
	s6 =	simm.s32 $0x108;
	_ =	swait.ge @!p0 [sflag:s8], $0x0  }
0x24: {  	s3 =	sadd.s32 $0x88, s3;
	s6 =	simm.s32 @!p1 $0x1082;
	[sflag:s4] =	ssyncset.s32 $0xFFFFF086  }
0x25: {  	[simem:s6], [sflag:s4] =	dma.local [hbm:s3], $0xF7A  }
0x26: {  	[smem:$0x3F95] =	sst s1;
	(tag) =	ssettag s2;
	_ =	strace s9  }
0x27: {  	s1 =	sld [smem:$0x3FA5]  }
0x28: {  	s2 =	sld [smem:$0x3FA6]  }
0x29: {  	s4 =	sld [smem:$0x3FA8]  }
0x2a: {  	p0 =	seq.s32 s5, $0x0;
	s5 =	sld [smem:$0x3FA9]  }
0x2b: {  	s6 =	sld [smem:$0x3FAA]  }
0x2c: {  	s7 =	sld [smem:$0x3FAB]  }
0x2d: {  	s3 =	simm.s32 $0x108;
	s8 =	sld [smem:$0x3FAC]  }
0x2e: {  	s3 =	simm.s32 @!p0 $0x1082;
	s9 =	sld [smem:$0x3FAD]  }
0x2f: {  	lr =	sadd.s32 s0, s3;
	s0 =	sld [smem:$0x3FA4]  }
0x30: {  	s3 =	sld [smem:$0x3FA7]  }
0x31: {  	[smem:$0x3FB0] =	sst s10  }
0x32: {  	s10 =	sld [smem:$0x3FAE];
	_ =	sdelay $0x3  }
0x33: {  	p0 =	seq.s32 s10, $0x1;
	s10 =	sld [smem:$0x3FB0];
	_ =	sdelay $0x3  }
0x34: {  	[smem:$0x3FB0] =	sst s10  }
0x35: {  	s10 =	sld [smem:$0x3FAF];
	_ =	sdelay $0x3  }
0x36: {  	p1 =	seq.s32 s10, $0x1;
	s10 =	sld [smem:$0x3FB0];
	_ =	sdelay $0x3  }
0x37: {  	[smem:$0x3FB0] =	sst s10  }
0x38: {  	s10 =	sld [smem:$0x3FB1]  }
0x39: {  	_ = 	snop;
	(pc) =	sbr.ind lr, $3  }
0x3a: {  	_ = 	snop  }
0x3b: {  	_ = 	snop  }
0x3c: {  	p2 =	seq.s32 s10, $0x1;
	s10 =	sld [smem:$0x3FB0]  }
0x3d: {  	_ =	shalt  }
0x3e: {  	_ =	shalt  }
0x3f: {  	_ =	shalt  }
0x40: {  	_ =	shalt  }
0x41: {  	_ =	shalt  }
0x42: {  	_ =	shalt  }
0x43: {  	_ =	shalt  }
0x44: {  	_ =	shalt  }
0x45: {  	_ =	shalt  }
0x46: {  	_ =	shalt  }
0x47: {  	_ =	shalt  }
0x48: {  	_ =	shalt  }
0x49: {  	_ =	shalt  }
0x4a: {  	_ =	shalt  }
0x4b: {  	_ =	shalt  }
0x4c: {  	_ =	shalt  }
0x4d: {  	_ =	shalt  }
0x4e: {  	_ =	shalt  }
0x4f: {  	_ =	shalt  }
0x50: {  	_ =	shalt  }
0x51: {  	_ =	shalt  }
0x52: {  	_ =	shalt  }
0x53: {  	_ =	shalt  }
0x54: {  	_ =	shalt  }
0x55: {  	_ =	shalt  }
0x56: {  	_ =	shalt  }
0x57: {  	_ =	shalt  }
0x58: {  	_ =	shalt  }
0x59: {  	_ =	shalt  }
0x5a: {  	_ =	shalt  }
0x5b: {  	_ =	shalt  }
0x5c: {  	_ =	shalt  }
0x5d: {  	_ =	shalt  }
0x5e: {  	_ =	shalt  }
0x5f: {  	_ =	shalt  }
0x60: {  	_ =	shalt  }
0x61: {  	_ =	shalt  }
0x62: {  	_ =	shalt  }
0x63: {  	_ =	shalt  }
0x64: {  	_ =	shalt  }
0x65: {  	_ =	shalt  }
0x66: {  	_ =	shalt  }
0x67: {  	_ =	shalt  }
0x68: {  	_ =	shalt  }
0x69: {  	_ =	shalt  }
0x6a: {  	_ =	shalt  }
0x6b: {  	_ =	shalt  }
0x6c: {  	_ =	shalt  }
0x6d: {  	_ =	shalt  }
0x6e: {  	_ =	shalt  }
0x6f: {  	_ =	shalt  }
0x70: {  	_ =	shalt  }
0x71: {  	_ =	shalt  }
0x72: {  	_ =	shalt  }
0x73: {  	_ =	shalt  }
0x74: {  	_ =	shalt  }
0x75: {  	_ =	shalt  }
0x76: {  	_ =	shalt  }
0x77: {  	_ =	shalt  }
0x78: {  	_ =	shalt  }
0x79: {  	_ =	shalt  }
0x7a: {  	_ =	shalt  }
0x7b: {  	_ =	shalt  }
0x7c: {  	_ =	shalt  }
0x7d: {  	_ =	shalt  }
0x7e: {  	_ =	shalt  }
0x7f: {  	_ =	shalt  }
0x80: {  	_ =	shalt  }
0x81: {  	_ =	shalt  }
0x82: {  	_ =	shalt  }
0x83: {  	_ =	shalt  }
0x84: {  	_ =	shalt  }
0x85: {  	_ =	shalt  }
0x86: {  	_ =	shalt  }
0x87: {  	_ =	shalt  }
.Lfunc_end0:
.L_simem_size_0:
called_computation_lowered:
.L_overlay_start_0:
0x88: {  	s2 =	sld [smem:$0x3FD9]  }
0x89: {  	s3 =	sld [smem:$0x3FFE];
	_ =	sdelay $0x1  }
0x8a: {  	s1 =	srdreg.scid  }
0x8b: {  	s0 =	sand.u32 $0x1, s1  }
0x8c: {  	s14 =	sshll.u32 s0, $0xA;
	s2 =	sadd.s32 s3, s2  }
0x8d: {  	s2 =	sadd.s32 s2, s14  }
0x8e: {  	[smem:$0x3FBC] =	sst s2  }
0x8f: {  	_ = 	snop  }
0x90: {  	s2 =	sld [smem:$0x3FC9]  }
0x91: {  	s15 =	sld [smem:$0x3FD0]  }
0x92: {  	s4 =	sld [smem:$0x3FC8]  }
0x93: {  	s5 =	sld [smem:$0x3FC6]  }
0x94: {  	s7 =	simm.s32 $0xB;
	s8 =	simm.s32 $0x10;
	s6 =	sld [smem:$0x3FC5]  }
0x95: {  	[smem:s8], [sflag:s7] =	dma.local [hbm:s15], $0x1  }
0x96: {  	_ =	swait.eq [sflag:s7], $0x1  }
0x97: {  	[sflag:s7] =	ssyncset.done $0x0  }
0x98: {  	[sflag:s7] =	ssyncadd.s32 $0xFFFFFFFF  }
0x99: {  	s16 =	sld [smem:$0x10];
	(tm) =	ssettm $0x1  }
0x9a: {  	s17 =	sld [smem:$0x3FFB];
	_ =	sdelay $0x3  }
0x9b: {  	_ =	strace s17  }
0x9c: {  	s7 =	sld [smem:$0x3FFC];
	_ =	sdelay $0x3  }
0x9d: {  	_ =	strace s7  }
0x9e: {  	s7 =	sld [smem:$0x3FFD];
	_ =	sdelay $0x3  }
0x9f: {  	_ =	strace s7  }
0xa0: {  	_ =	strace $0x8FFFFFFF  }
0xa1: {  	s18 =	sld [smem:$0x3FDB];
	_ =	sdelay $0x1  }
0xa2: {  	s19 =	simm.s32 $_scs_section_size  }
0xa3: {  	s9 =	simm.s32 $_size__tile_overlayer_lowered;
	s10 =	simm.s32 $_tile_overlayer_lowered  }
0xa4: {  	s22 =	simm.s32 $0x1BFF;
	s21 =	sshll.u32 s10, $0x1;
	s7 =	sadd.s32 s19, s18  }
0xa5: {  	s11 =	simm.s32 $0x0;
	s20 =	sshll.u32 s9, $0x1;
	s9 =	sadd.s32 s21, s7  }
0xa6: {  	[timem:s11], [sflag:s22] =	dma.local [hbm:s9], s20  }
0xa7: {  	_ =	swait.ge [sflag:s22], s20  }
0xa8: {  	s8 =	ssub.s32 $0x0, s20;
	[sflag:s22] =	ssyncset.done $0x0  }
0xa9: {  	[sflag:s22] =	ssyncadd.s32 s8;
	_ =	sdelay $0x1  }
0xaa: {  	s23 =	simm.s32 $0x1B8B  }
0xab: {  	_ =	swait.ge [sflag:s23], $0x1  }
0xac: {  	[sflag:s23] =	ssyncset.done $0x0  }
0xad: {  	s25 =	simm.s32 $0x1B8E;
	s24 =	sld [smem:$0x3FFE];
	[sflag:s23] =	ssyncadd.s32 $0xFFFFFFFF  }
0xae: {  	s26 =	simm.s32 $execute0_lowered;
	[smem:$0x3FD2] =	sst s25  }
0xaf: {  	s9 =	sshll.u32 s26, $0x1;
	_ =	strace $0x80000046;
	[dreg:$0x1] =	wrdreg $0xFFFFFFFF  }
0xb0: {  	s28 =	simm.s32 $_size_execute0_lowered;
	s7 =	sadd.s32 s7, s9;
	[dreg:$0x0] =	wrdreg $0x0  }
0xb1: {  	s9 =	sshll.u32 s28, $0x1;
	[dreg:$0x2] =	wrdreg s7  }
0xb2: {  	[dreg:$0x3] =	wrdreg s9  }
0xb3: {  	[dreg:$0x4] =	wrdreg $0xC0  }
0xb4: {  	_ =	task [dreg:s11], $0x5FFFF  }
0xb5: {  	[dreg:$0x1] =	wrdreg $0xFFFFFFFF  }
0xb6: {  	[dreg:$0x0] =	wrdreg $0x60  }
0xb7: {  	[dreg:$0x2] =	wrdreg s5  }
0xb8: {  	[dreg:$0x3] =	wrdreg s6  }
0xb9: {  	[dreg:$0x4] =	wrdreg s2  }
0xba: {  	[dreg:$0x5] =	wrdreg s4  }
0xbb: {  	[dreg:$0x6] =	wrdreg s16  }
0xbc: {  	[dreg:$0x7] =	wrdreg s24  }
0xbd: {  	[dreg:$0x8] =	wrdreg $0x9  }
0xbe: {  	_ =	task.clear_ibuf [dreg:s11], $0x9FFFF;
	_ =	strace $0x90000046  }
0xbf: {  	s29 =	simm.s32 $0x9;
	_ =	strace $0x80000048  }
0xc0: {  	_ =	swait.ge [sflag:s29], $0x1  }
0xc1: {  	[sflag:s29] =	ssyncadd.s32 $0xFFFFFFFF  }
0xc2: {  	_ =	strace $0x90000048  }
0xc3: {  	_ =	sfence  }
0xc4: {  	s30 =	sld [smem:$0x0];
	_ =	sdelay $0x2  }
0xc5: {  	s31 =	sshll.u32 s1, $0xD;
	s1 =	sshrl.u32 s1, $0x2  }
0xc6: {  	s3 =	sand.u32 $0x4000, s31;
	s1 =	sadd.s32 s1, s30  }
0xc7: {  	s0 =	sor.u32 s3, s0;
	s1 =	sshll.u32 s1, $0x11  }
0xc8: {  	s0 =	sor.u32 s1, s0  }
0xc9: {  	s0 =	sadd.s32 $0x8F2B, s0  }
0xca: {  	[sflag:s0] =	ssyncadd.remote.s32 $0x1  }
0xcb: {  	_ =	sfence.sel $0xFFFF  }
0xcc: {  	[dreg:$0x0] =	wrdreg $0xFFFFFFFF;
	(pc) =	sbr.abs _section_cstart, $3  }
0xcd: {  	[dreg:$0x1] =	wrdreg $0xFFFFFFFF  }
0xce: {  	_ =	task.clear_ibuf [dreg:s11], $0x2FFFF;
	_ =	strace $0x9FFFFFFF  }
0xcf: {  	(tm) =	ssettm $0x7FFFFFFF  }
tec
execute0_lowered:
.L_overlay_start_1:
0x0: {  	(tag) =	ssettag $0x1  }
0x1: {  	s1 =	rddreg [dreg:$0x0]  }
0x2: {  	s2 =	rddreg [dreg:$0x1]  }
0x3: {  	s5 =	rddreg [dreg:$0x2]  }
0x4: {  	s6 =	rddreg [dreg:$0x3]  }
0x5: {  	s7 =	rddreg [dreg:$0x4]  }
0x6: {  	s8 =	rddreg [dreg:$0x5];
	s9 =	srdreg.scid  }
0x7: {  	s4 =	simm.s32 $0x0;
	s3 =	stileid.u32;
	s13 =	simm.s32 $0x1100  }
0x8: {  	s14 =	simm.s32 $0x1900;
	s15 =	simm.s32 $0x2100;
	s16 =	simm.s32 $0x2900  }
0x9: {  	s17 =	simm.s32 $0x3100;
	s18 =	simm.s32 $0x3900;
	s19 =	simm.s32 $0x4100  }
0xa: {  	s20 =	simm.s32 $0x4900;
	s21 =	simm.s32 $0x5100;
	s22 =	simm.s32 $0x5900  }
0xb: {  	s23 =	simm.s32 $0x6100;
	s24 =	simm.s32 $0x6900;
	s25 =	simm.s32 $0x7100  }
0xc: {  	s26 =	simm.s32 $0x7900;
	s28 =	simm.s32 $0x1;
	s29 =	simm.s32 $0x2  }
0xd: {  	s30 =	simm.s32 $0x3;
	s31 =	simm.s32 $0x4;
	s9 =	sand.u32 $0x1, s9  }
0xe: {  	[smem:$0x7FF] =	sst s4;
	s10 =	sshll.u32 s3, $0x7;
	s11 =	sshll.u32 s9, $0x6  }
0xf: {  	_ =	strace $0x80000047;
	s9 =	ssub.s32 $0x2, s9;
	s10 =	sor.u32 s11, s10  }
0x10: {  	s12 =	sshrl.u32 s9, $0x1;
	s11 =	sshll.u32 s10, $0x5;
	s10 =	sshrl.u32 s10, $0x3  }
0x11: {  	s9 =	ssub.s32 s9, s12;
	s12 =	simm.s32 $0x900;
	s5 =	sadd.s32 s5, s10  }
0x12: {  	v2 =	vlaneseq.u32;
	s8 =	sadd.s32 s11, s8;
	[dreg:$0x7] =	wrdreg s5;
	s5 =	sadd.s32 s6, s10  }
0x13: {  	vm0 =	vmmov $0xffff;
	v1 =	vshrl.u32 v2, $0x3;
	s6 =	sadd.s32 s7, s11;
	s7 =	sadd.s32 $0x3400, s8;
	s8 =	smax.u32 s9, $0x1  }
0x14: {  	v0 =	vand.u32 $0x7, v2;
	v2 =	vor.u32 $0x8, v2;
	v1 =	vmul.u32 $0x8, v1;
	s9 =	simm.s32 $0x5;
	s10 =	simm.s32 $0x80;
	s11 =	simm.s32 $0x100  }
.LBB2_1:
0x15: {  	s0 =	rddreg [dreg:$0x7]  }
0x16: {  	[tilespmem:s4], [sflag:$0x5] =	stream.linear.gather [hbm4b:s0+s4], $0x40, $0x38;
	[tilespmem:$0x8100] =	vst v63  }
0x17: {  	_ =	swait.ge [sflag:s9], $0x40  }
0x18: {  	[sflag:s9] =	ssyncset.done $0x0  }
0x19: {  	[sflag:s9] =	ssyncadd.s32 $0xFFFFFFC0  }
0x1a: {  	[tilespmem:s10], [sflag:$0x5] =	stream.linear.gather [hbm4b:s5+s4], $0x40, $0x38;
	[tilespmem:$0x8100] =	vst v63  }
0x1b: {  	_ =	swait.ge [sflag:s9], $0x40  }
0x1c: {  	[sflag:s9] =	ssyncset.done $0x0  }
0x1d: {  	[sflag:s9] =	ssyncadd.s32 $0xFFFFFFC0  }
0x1e: {  	v3 =	vld [tilespmem:$0x0];
	_ =	sdelay $0x4  }
0x1f: {  	v4 =	vshll.u32 v3, $0x1  }
0x20: {  	v3 =	vand.u32 $0x7, v3;
	v4 =	vand.u32 $0xFFFFFFF0, v4  }
0x21: {  	v3 =	vor.u32 v3, v4  }
0x22: {  	v4 =	vperm.xlane v3, v0;
	_ =	sdelay $0x1  }
0x23: {  	v3 =	vperm.xlane v3, v2;
	v4 =	vadd.s32 v1, v4;
	_ =	sdelay $0x1  }
0x24: {  	v3 =	vadd.s32 v1, v3;
	_ =	sdelay $0x2  }
0x25: {  	[tilespmem:s11], [sflag:$0x1] =	stream.indirect_vreg.gather [hbm4b:s1+s4], $0x80, v4, vm0, $0xb8;
	[tilespmem:$0x8100] =	vst v63  }
0x26: {  	_ = 	snop  }
0x27: {  	[tilespmem:s12], [sflag:$0x1] =	stream.indirect_vreg.gather [hbm4b:s1+s4], $0x80, v3, vm0, $0xb8;
	[tilespmem:$0x8100] =	vst v63  }
0x28: {  	v3 =	vld [tilespmem:$0x10];
	_ =	sdelay $0x4  }
0x29: {  	v57 =	vshll.u32 v3, $0x1  }
0x2a: {  	v3 =	vand.u32 $0x7, v3;
	v4 =	vand.u32 $0xFFFFFFF0, v57  }
0x2b: {  	v3 =	vor.u32 v3, v4  }
0x2c: {  	v4 =	vperm.xlane v3, v0;
	_ =	sdelay $0x1  }
0x2d: {  	v3 =	vperm.xlane v3, v2;
	v4 =	vadd.s32 v1, v4;
	_ =	sdelay $0x1  }
0x2e: {  	v3 =	vadd.s32 v1, v3;
	_ =	sdelay $0x2  }
0x2f: {  	[tilespmem:s13], [sflag:$0x1] =	stream.indirect_vreg.gather [hbm4b:s1+s4], $0x80, v4, vm0, $0xb8;
	[tilespmem:$0x8100] =	vst v63  }
0x30: {  	_ = 	snop  }
0x31: {  	[tilespmem:s14], [sflag:$0x1] =	stream.indirect_vreg.gather [hbm4b:s1+s4], $0x80, v3, vm0, $0xb8;
	[tilespmem:$0x8100] =	vst v63  }
0x32: {  	v3 =	vld [tilespmem:$0x20];
	_ =	sdelay $0x4  }
0x33: {  	v58 =	vshll.u32 v3, $0x1  }
0x34: {  	v3 =	vand.u32 $0x7, v3;
	v4 =	vand.u32 $0xFFFFFFF0, v58  }
0x35: {  	v3 =	vor.u32 v3, v4  }
0x36: {  	v4 =	vperm.xlane v3, v0;
	_ =	sdelay $0x1  }
0x37: {  	v3 =	vperm.xlane v3, v2;
	v4 =	vadd.s32 v1, v4;
	_ =	sdelay $0x1  }
0x38: {  	v3 =	vadd.s32 v1, v3;
	_ =	sdelay $0x2  }
0x39: {  	[tilespmem:s15], [sflag:$0x1] =	stream.indirect_vreg.gather [hbm4b:s1+s4], $0x80, v4, vm0, $0xb8;
	[tilespmem:$0x8100] =	vst v63  }
0x3a: {  	_ = 	snop  }
0x3b: {  	[tilespmem:s16], [sflag:$0x1] =	stream.indirect_vreg.gather [hbm4b:s1+s4], $0x80, v3, vm0, $0xb8;
	[tilespmem:$0x8100] =	vst v63  }
0x3c: {  	v3 =	vld [tilespmem:$0x30];
	_ =	sdelay $0x4  }
0x3d: {  	v59 =	vshll.u32 v3, $0x1  }
0x3e: {  	v3 =	vand.u32 $0x7, v3;
	v4 =	vand.u32 $0xFFFFFFF0, v59  }
0x3f: {  	v3 =	vor.u32 v3, v4  }
0x40: {  	v4 =	vperm.xlane v3, v0;
	_ =	sdelay $0x1  }
0x41: {  	v3 =	vperm.xlane v3, v2;
	v4 =	vadd.s32 v1, v4;
	_ =	sdelay $0x1  }
0x42: {  	v3 =	vadd.s32 v1, v3;
	_ =	sdelay $0x2  }
0x43: {  	[tilespmem:s17], [sflag:$0x1] =	stream.indirect_vreg.gather [hbm4b:s1+s4], $0x80, v4, vm0, $0xb8;
	[tilespmem:$0x8100] =	vst v63  }
0x44: {  	_ = 	snop  }
0x45: {  	[tilespmem:s18], [sflag:$0x1] =	stream.indirect_vreg.gather [hbm4b:s1+s4], $0x80, v3, vm0, $0xb8;
	[tilespmem:$0x8100] =	vst v63  }
0x46: {  	v3 =	vld [tilespmem:$0x80];
	_ =	sdelay $0x4  }
0x47: {  	v60 =	vshll.u32 v3, $0x1  }
0x48: {  	v3 =	vand.u32 $0x7, v3;
	v4 =	vand.u32 $0xFFFFFFF0, v60  }
0x49: {  	v3 =	vor.u32 v3, v4  }
0x4a: {  	v4 =	vperm.xlane v3, v0;
	_ =	sdelay $0x1  }
0x4b: {  	v3 =	vperm.xlane v3, v2;
	v4 =	vadd.s32 v1, v4;
	_ =	sdelay $0x1  }
0x4c: {  	v3 =	vadd.s32 v1, v3;
	_ =	sdelay $0x2  }
0x4d: {  	[tilespmem:s19], [sflag:$0x2] =	stream.indirect_vreg.gather [hbm4b:s2+s4], $0x80, v4, vm0, $0xb8;
	[tilespmem:$0x8100] =	vst v63  }
0x4e: {  	_ = 	snop  }
0x4f: {  	[tilespmem:s20], [sflag:$0x2] =	stream.indirect_vreg.gather [hbm4b:s2+s4], $0x80, v3, vm0, $0xb8;
	[tilespmem:$0x8100] =	vst v63  }
0x50: {  	v3 =	vld [tilespmem:$0x90];
	_ =	sdelay $0x4  }
0x51: {  	v61 =	vshll.u32 v3, $0x1  }
0x52: {  	v3 =	vand.u32 $0x7, v3;
	v4 =	vand.u32 $0xFFFFFFF0, v61  }
0x53: {  	v3 =	vor.u32 v3, v4  }
0x54: {  	v4 =	vperm.xlane v3, v0;
	_ =	sdelay $0x1  }
0x55: {  	v3 =	vperm.xlane v3, v2;
	v4 =	vadd.s32 v1, v4;
	_ =	sdelay $0x1  }
0x56: {  	v3 =	vadd.s32 v1, v3;
	_ =	sdelay $0x2  }
0x57: {  	[tilespmem:s21], [sflag:$0x2] =	stream.indirect_vreg.gather [hbm4b:s2+s4], $0x80, v4, vm0, $0xb8;
	[tilespmem:$0x8100] =	vst v63  }
0x58: {  	_ = 	snop  }
0x59: {  	[tilespmem:s22], [sflag:$0x2] =	stream.indirect_vreg.gather [hbm4b:s2+s4], $0x80, v3, vm0, $0xb8;
	[tilespmem:$0x8100] =	vst v63  }
0x5a: {  	v3 =	vld [tilespmem:$0xA0];
	_ =	sdelay $0x4  }
0x5b: {  	v62 =	vshll.u32 v3, $0x1  }
0x5c: {  	v3 =	vand.u32 $0x7, v3;
	v4 =	vand.u32 $0xFFFFFFF0, v62  }
0x5d: {  	v3 =	vor.u32 v3, v4  }
0x5e: {  	v4 =	vperm.xlane v3, v0;
	_ =	sdelay $0x1  }
0x5f: {  	v3 =	vperm.xlane v3, v2;
	v4 =	vadd.s32 v1, v4;
	_ =	sdelay $0x1  }
0x60: {  	v3 =	vadd.s32 v1, v3;
	_ =	sdelay $0x2  }
0x61: {  	[tilespmem:s23], [sflag:$0x2] =	stream.indirect_vreg.gather [hbm4b:s2+s4], $0x80, v4, vm0, $0xb8;
	[tilespmem:$0x8100] =	vst v63  }
0x62: {  	_ = 	snop  }
0x63: {  	[tilespmem:s24], [sflag:$0x2] =	stream.indirect_vreg.gather [hbm4b:s2+s4], $0x80, v3, vm0, $0xb8;
	[tilespmem:$0x8100] =	vst v63  }
0x64: {  	v3 =	vld [tilespmem:$0xB0];
	_ =	sdelay $0x4  }
0x65: {  	v63 =	vshll.u32 v3, $0x1  }
0x66: {  	v3 =	vand.u32 $0x7, v3;
	v4 =	vand.u32 $0xFFFFFFF0, v63  }
0x67: {  	v3 =	vor.u32 v3, v4  }
0x68: {  	v4 =	vperm.xlane v3, v0;
	_ =	sdelay $0x1  }
0x69: {  	v3 =	vperm.xlane v3, v2;
	v4 =	vadd.s32 v1, v4;
	_ =	sdelay $0x1  }
0x6a: {  	v3 =	vadd.s32 v1, v3;
	_ =	sdelay $0x2  }
0x6b: {  	[tilespmem:s25], [sflag:$0x2] =	stream.indirect_vreg.gather [hbm4b:s2+s4], $0x80, v4, vm0, $0xb8;
	[tilespmem:$0x8100] =	vst v63  }
0x6c: {  	_ = 	snop  }
0x6d: {  	[tilespmem:s26], [sflag:$0x2] =	stream.indirect_vreg.gather [hbm4b:s2+s4], $0x80, v3, vm0, $0xb8;
	[tilespmem:$0x8100] =	vst v63  }
0x6e: {  	_ =	swait.ge [sflag:s28], $0x4000  }
0x6f: {  	[sflag:s28] =	ssyncset.done $0x0  }
0x70: {  	[sflag:s28] =	ssyncadd.s32 $0xFFFFC000  }
0x71: {  	[hbm4b:s6+s4] =	stream.linear.scatter [tilespmem:s11], [sflag:$0x3], $0x4000, $0x38;
	[tilespmem:$0x8100] =	vst v63  }
0x72: {  	_ =	swait.ge [sflag:s29], $0x4000  }
0x73: {  	[sflag:s29] =	ssyncset.done $0x0  }
0x74: {  	[sflag:s29] =	ssyncadd.s32 $0xFFFFC000  }
0x75: {  	[hbm4b:s7+s4] =	stream.linear.scatter [tilespmem:s19], [sflag:$0x4], $0x4000, $0x38;
	[tilespmem:$0x8100] =	vst v63  }
0x76: {  	p0 =	sne.s32 s8, $0x1;
	_ =	swait.ge [sflag:s30], $0x4000  }
.Ltmp0:
0x77: {  	[sflag:s30] =	ssyncset.done $0x0;
	(pc) =	sbr.rel @p0 .LBB2_1-.Ltmp0, $4  }
0x78: {  	[sflag:s30] =	ssyncadd.s32 $0xFFFFC000  }
0x79: {  	_ =	swait.ge [sflag:s31], $0x4000  }
0x7a: {  	[sflag:s31] =	ssyncset.done $0x0  }
0x7b: {  	s8 =	sadd.s32 $0xFFFFFFFF, s8;
	[sflag:s31] =	ssyncadd.s32 $0xFFFFC000  }
0x7c: {  	_ =	sfence.sel $0x180000  }
0x7d: {  	[bflag:$0x0] =	sbarrier.arrive $0xFFFF  }
0x7e: {  	_ =	strace $0x90000047  }
0x7f: {  	[bflag:$0x2] =	sbarrier.arrive $0xFFFF  }
0x80: {  	p0 =	sne.s32 s3, $0x0;
	s0 =	rddreg [dreg:$0x6]  }
0x81: {  	s0 =	sadd.s32 @!p0 $0x100000, s0  }
0x82: {  	[sflag:s0] =	ssyncadd.tile.s32 @!p0 $0x1;
	_ =	shalt  }
.Lfunc_end2:
_tile_overlayer_lowered:
.L_overlay_start_2:
0x83: {  	(tag) =	ssettag $0x2  }
0x84: {  	s0 =	rddreg [dreg:$0x0];
	s2 =	stileid.u32  }
0x85: {  	s1 =	rddreg [dreg:$0x1];
	p0 =	sne.s32 s2, $0x0  }
0x86: {  	s3 =	rddreg [dreg:$0x2];
	[bflag:$0x3] =	sbarrier.arrive $0xFFFF;
	s2 =	simm.s32 @!p0 $0x1C05  }
0x87: {  	[timem:s3], [sflag:s2] =	dma.local @!p0 [hbm:s0], s1  }
0x88: {  	s0 =	simm.s32 @!p0 $0x5  }
0x89: {  	_ =	swait.ge @!p0 [sflag:s0], s1  }
0x8a: {  	s1 =	ssub.s32 @!p0 $0x0, s1;
	[sflag:s0] =	ssyncset.done @!p0 $0x0  }
0x8b: {  	[sflag:s0] =	ssyncadd.s32 @!p0 s1  }
0x8c: {  	[bflag:$0x3] =	sbarrier.arrive $0xFFFF  }
0x8d: {  	_ =	shalt  }

// kernel: kernel.9.cloned.1.call-start
scs
__scs_entry_jumppad:
0x0: {  	(pc) =	sbr.rel $0x88, $3  }
0x1: {  	(tag) =	ssettag $0x0;
	lr =	simm.s32 $0x1  }
0x2: {  	[smem:$0x3F95] =	sst lr;
	_ =	strace $0xD0000000  }
0x3: {  	_ = 	snop  }
0x4: {  	_ = 	snop  }
0x5: {  	_ = 	snop  }
0x6: {  	_ = 	snop  }
0x7: {  	_ = 	snop  }
__scs_overlays_trampoline_lowered:
0x8: {  	[smem:$0x3FA4] =	sst s0  }
0x9: {  	[smem:$0x3FA5] =	sst s1  }
0xa: {  	[smem:$0x3FA6] =	sst s2  }
0xb: {  	[smem:$0x3FA7] =	sst s3  }
0xc: {  	[smem:$0x3FA8] =	sst s4  }
0xd: {  	[smem:$0x3FA9] =	sst s5  }
0xe: {  	[smem:$0x3FAA] =	sst s6  }
0xf: {  	[smem:$0x3FAB] =	sst s7  }
0x10: {  	[smem:$0x3FAC] =	sst s8  }
0x11: {  	[smem:$0x3FAD] =	sst s9;
	s0 =	simm.s32 @!p0 $0x0  }
0x12: {  	s1 =	sld [smem:$0x3F93];
	s0 =	simm.s32 @p0 $0x1  }
0x13: {  	[smem:$0x3FAE] =	sst s0;
	s0 =	simm.s32 @!p1 $0x0  }
0x14: {  	s2 =	sld [smem:$0x3F92];
	s0 =	simm.s32 @p1 $0x1  }
0x15: {  	[smem:$0x3FAF] =	sst s0;
	s0 =	simm.s32 @!p2 $0x0  }
0x16: {  	s3 =	sld [smem:$0x3FDB];
	s0 =	simm.s32 @p2 $0x1  }
0x17: {  	s4 =	simm.s32 $0x1BF5;
	[smem:$0x3FB1] =	sst s0  }
0x18: {  	s0 =	sld [smem:$0x3F94];
	_ =	swait.ge [sflag:s4], $0x0  }
0x19: {  	s7 =	sld [smem:$0x3F95]  }
0x1a: {  	s8 =	sadd.s32 $0xFFFFE003, lr  }
0x1b: {  	s9 =	sadd.s32 $0xFFFFFEF7, lr;
	s5 =	simm.s32 $0xFFFFFFFF;
	p2 =	slt.u32 s8, $0xFFFFF086  }
0x1c: {  	p1 =	slt.u32 s9, $0xF7A;
	s5 =	simm.s32 @!p2 $0x0  }
0x1d: {  	s5 =	simm.s32 @p1 $0x1;
	p0 =	seq.s32 s7, s2  }
0x1e: {  	s7 =	smul.u32 @!p0 $0xF7A, s2;
	p2 =	seq.s32 @!p0 s5, $0x0  }
0x1f: {  	s9 =	smul.u32 $0xF7A, s1;
	s8 =	simm.s32 @!p0 $0x1BF5;
	p2 =	por !p2, p0  }
0x20: {  	[sflag:s8] =	ssyncset.s32 @!p0 $0xFFFFF086;
	s6 =	sadd.s32 @!p0 s3, s7;
	s7 =	simm.s32 @!p0 $0x108  }
0x21: {  	s3 =	sadd.s32 s3, s9;
	s6 =	sadd.s32 @!p0 $0x88, s6;
	s7 =	simm.s32 @p2 $0x1082  }
0x22: {  	[simem:s7], [sflag:s8] =	dma.local @!p0 [hbm:s6], $0xF7A  }
0x23: {  	s9 =	sor.u32 $0xD0000000, s2;
	s6 =	simm.s32 $0x108;
	_ =	swait.ge @!p0 [sflag:s8], $0x0  }
0x24: {  	s3 =	sadd.s32 $0x88, s3;
	s6 =	simm.s32 @!p1 $0x1082;
	[sflag:s4] =	ssyncset.s32 $0xFFFFF086  }
0x25: {  	[simem:s6], [sflag:s4] =	dma.local [hbm:s3], $0xF7A  }
0x26: {  	[smem:$0x3F95] =	sst s1;
	(tag) =	ssettag s2;
	_ =	strace s9  }
0x27: {  	s1 =	sld [smem:$0x3FA5]  }
0x28: {  	s2 =	sld [smem:$0x3FA6]  }
0x29: {  	s4 =	sld [smem:$0x3FA8]  }
0x2a: {  	p0 =	seq.s32 s5, $0x0;
	s5 =	sld [smem:$0x3FA9]  }
0x2b: {  	s6 =	sld [smem:$0x3FAA]  }
0x2c: {  	s7 =	sld [smem:$0x3FAB]  }
0x2d: {  	s3 =	simm.s32 $0x108;
	s8 =	sld [smem:$0x3FAC]  }
0x2e: {  	s3 =	simm.s32 @!p0 $0x1082;
	s9 =	sld [smem:$0x3FAD]  }
0x2f: {  	lr =	sadd.s32 s0, s3;
	s0 =	sld [smem:$0x3FA4]  }
0x30: {  	s3 =	sld [smem:$0x3FA7]  }
0x31: {  	[smem:$0x3FB0] =	sst s10  }
0x32: {  	s10 =	sld [smem:$0x3FAE];
	_ =	sdelay $0x3  }
0x33: {  	p0 =	seq.s32 s10, $0x1;
	s10 =	sld [smem:$0x3FB0];
	_ =	sdelay $0x3  }
0x34: {  	[smem:$0x3FB0] =	sst s10  }
0x35: {  	s10 =	sld [smem:$0x3FAF];
	_ =	sdelay $0x3  }
0x36: {  	p1 =	seq.s32 s10, $0x1;
	s10 =	sld [smem:$0x3FB0];
	_ =	sdelay $0x3  }
0x37: {  	[smem:$0x3FB0] =	sst s10  }
0x38: {  	s10 =	sld [smem:$0x3FB1]  }
0x39: {  	_ = 	snop;
	(pc) =	sbr.ind lr, $3  }
0x3a: {  	_ = 	snop  }
0x3b: {  	_ = 	snop  }
0x3c: {  	p2 =	seq.s32 s10, $0x1;
	s10 =	sld [smem:$0x3FB0]  }
0x3d: {  	_ =	shalt  }
0x3e: {  	_ =	shalt  }
0x3f: {  	_ =	shalt  }
0x40: {  	_ =	shalt  }
0x41: {  	_ =	shalt  }
0x42: {  	_ =	shalt  }
0x43: {  	_ =	shalt  }
0x44: {  	_ =	shalt  }
0x45: {  	_ =	shalt  }
0x46: {  	_ =	shalt  }
0x47: {  	_ =	shalt  }
0x48: {  	_ =	shalt  }
0x49: {  	_ =	shalt  }
0x4a: {  	_ =	shalt  }
0x4b: {  	_ =	shalt  }
0x4c: {  	_ =	shalt  }
0x4d: {  	_ =	shalt  }
0x4e: {  	_ =	shalt  }
0x4f: {  	_ =	shalt  }
0x50: {  	_ =	shalt  }
0x51: {  	_ =	shalt  }
0x52: {  	_ =	shalt  }
0x53: {  	_ =	shalt  }
0x54: {  	_ =	shalt  }
0x55: {  	_ =	shalt  }
0x56: {  	_ =	shalt  }
0x57: {  	_ =	shalt  }
0x58: {  	_ =	shalt  }
0x59: {  	_ =	shalt  }
0x5a: {  	_ =	shalt  }
0x5b: {  	_ =	shalt  }
0x5c: {  	_ =	shalt  }
0x5d: {  	_ =	shalt  }
0x5e: {  	_ =	shalt  }
0x5f: {  	_ =	shalt  }
0x60: {  	_ =	shalt  }
0x61: {  	_ =	shalt  }
0x62: {  	_ =	shalt  }
0x63: {  	_ =	shalt  }
0x64: {  	_ =	shalt  }
0x65: {  	_ =	shalt  }
0x66: {  	_ =	shalt  }
0x67: {  	_ =	shalt  }
0x68: {  	_ =	shalt  }
0x69: {  	_ =	shalt  }
0x6a: {  	_ =	shalt  }
0x6b: {  	_ =	shalt  }
0x6c: {  	_ =	shalt  }
0x6d: {  	_ =	shalt  }
0x6e: {  	_ =	shalt  }
0x6f: {  	_ =	shalt  }
0x70: {  	_ =	shalt  }
0x71: {  	_ =	shalt  }
0x72: {  	_ =	shalt  }
0x73: {  	_ =	shalt  }
0x74: {  	_ =	shalt  }
0x75: {  	_ =	shalt  }
0x76: {  	_ =	shalt  }
0x77: {  	_ =	shalt  }
0x78: {  	_ =	shalt  }
0x79: {  	_ =	shalt  }
0x7a: {  	_ =	shalt  }
0x7b: {  	_ =	shalt  }
0x7c: {  	_ =	shalt  }
0x7d: {  	_ =	shalt  }
0x7e: {  	_ =	shalt  }
0x7f: {  	_ =	shalt  }
0x80: {  	_ =	shalt  }
0x81: {  	_ =	shalt  }
0x82: {  	_ =	shalt  }
0x83: {  	_ =	shalt  }
0x84: {  	_ =	shalt  }
0x85: {  	_ =	shalt  }
0x86: {  	_ =	shalt  }
0x87: {  	_ =	shalt  }
.Lfunc_end0:
.L_simem_size_0:
called_computation.1_lowered:
.L_overlay_start_0:
0x88: {  	s2 =	sld [smem:$0x3FD9]  }
0x89: {  	s3 =	sld [smem:$0x3FFE];
	_ =	sdelay $0x1  }
0x8a: {  	s1 =	srdreg.scid  }
0x8b: {  	s0 =	sand.u32 $0x1, s1  }
0x8c: {  	s16 =	sshll.u32 s0, $0xA;
	s2 =	sadd.s32 s3, s2  }
0x8d: {  	s2 =	sadd.s32 s2, s16  }
0x8e: {  	[smem:$0x3FBC] =	sst s2  }
0x8f: {  	_ = 	snop  }
0x90: {  	s17 =	sld [smem:$0x3FD0];
	_ =	sdelay $0x2  }
0x91: {  	s4 =	simm.s32 $0xB;
	s5 =	simm.s32 $0x10;
	s2 =	sld [smem:$0x3FC5]  }
0x92: {  	[smem:s5], [sflag:s4] =	dma.local [hbm:s17], $0x1  }
0x93: {  	_ =	swait.eq [sflag:s4], $0x1  }
0x94: {  	[sflag:s4] =	ssyncset.done $0x0  }
0x95: {  	[sflag:s4] =	ssyncadd.s32 $0xFFFFFFFF  }
0x96: {  	s18 =	sld [smem:$0x11];
	(tm) =	ssettm $0x1  }
0x97: {  	s19 =	sld [smem:$0x3FFB];
	_ =	sdelay $0x3  }
0x98: {  	_ =	strace s19  }
0x99: {  	s3 =	sld [smem:$0x3FFC];
	_ =	sdelay $0x3  }
0x9a: {  	_ =	strace s3  }
0x9b: {  	s3 =	sld [smem:$0x3FFD];
	_ =	sdelay $0x3  }
0x9c: {  	_ =	strace s3  }
0x9d: {  	_ =	strace $0x8FFFFFFF  }
0x9e: {  	s20 =	sld [smem:$0x3FDB];
	_ =	sdelay $0x1  }
0x9f: {  	s21 =	simm.s32 $_scs_section_size  }
0xa0: {  	s6 =	simm.s32 $_size__tile_overlayer_lowered;
	s7 =	simm.s32 $_tile_overlayer_lowered  }
0xa1: {  	s8 =	simm.s32 $0x1BFF;
	s22 =	sshll.u32 s7, $0x1;
	s5 =	sadd.s32 s21, s20  }
0xa2: {  	s23 =	simm.s32 $0x0;
	s6 =	sshll.u32 s6, $0x1;
	s7 =	sadd.s32 s22, s5  }
0xa3: {  	[timem:s23], [sflag:s8] =	dma.local [hbm:s7], s6  }
0xa4: {  	_ =	swait.ge [sflag:s8], s6  }
0xa5: {  	s6 =	ssub.s32 $0x0, s6;
	[sflag:s8] =	ssyncset.done $0x0  }
0xa6: {  	[sflag:s8] =	ssyncadd.s32 s6;
	_ =	sdelay $0x1  }
0xa7: {  	s24 =	simm.s32 $0x1B8B  }
0xa8: {  	_ =	swait.ge [sflag:s24], $0x1  }
0xa9: {  	[sflag:s24] =	ssyncset.done $0x0  }
0xaa: {  	[sflag:s24] =	ssyncadd.s32 $0xFFFFFFFF  }
0xab: {  	s6 =	sld [smem:$0x0]  }
0xac: {  	s7 =	sand.u32 $0xFFFFFFFE, s1  }
0xad: {  	p0 =	sne.s32 s1, s7  }
0xae: {  	s7 =	sshll.u32 @p0 s7, $0xE  }
0xaf: {  	s7 =	sadd.s32 @p0 $0x11B8D, s7;
	s8 =	sshll.u32 @p0 s6, $0x11  }
0xb0: {  	s7 =	sor.u32 @p0 s8, s7  }
0xb1: {  	[sflag:s7] =	ssyncadd.remote.s32 @p0 $0x1;
	_ =	sdelay $0x1  }
0xb2: {  	s7 =	simm.s32 @p0 $0x1B8D  }
0xb3: {  	_ =	swait.eq @p0 [sflag:s7], $0x1  }
0xb4: {  	[sflag:s7] =	ssyncadd.s32 @p0 $0xFFFFFFFF  }
0xb5: {  	s8 =	sshll.u32 @!p0 s1, $0xE  }
0xb6: {  	s8 =	sor.u32 @!p0 $0x4000, s8;
	s7 =	simm.s32 @!p0 $0x1B8D  }
0xb7: {  	s6 =	sshll.u32 @!p0 s6, $0x11;
	s8 =	sadd.s32 @!p0 $0x11B8D, s8;
	_ =	swait.eq @!p0 [sflag:s7], $0x1  }
0xb8: {  	s6 =	sor.u32 @!p0 s6, s8;
	[sflag:s7] =	ssyncadd.s32 @!p0 $0xFFFFFFFF  }
0xb9: {  	s25 =	simm.s32 $0x1B8E;
	[sflag:s6] =	ssyncadd.remote.s32 @!p0 $0x1  }
0xba: {  	s26 =	simm.s32 $execute0_lowered;
	[smem:$0x3FD2] =	sst s25  }
0xbb: {  	s6 =	sshll.u32 s26, $0x1;
	_ =	strace $0x80000049;
	[dreg:$0x1] =	wrdreg $0xFFFFFFFF  }
0xbc: {  	s28 =	simm.s32 $_size_execute0_lowered;
	s5 =	sadd.s32 s5, s6;
	[dreg:$0x0] =	wrdreg $0x0  }
0xbd: {  	s6 =	sshll.u32 s28, $0x1;
	[dreg:$0x2] =	wrdreg s5  }
0xbe: {  	[dreg:$0x3] =	wrdreg s6  }
0xbf: {  	[dreg:$0x4] =	wrdreg $0xC0  }
0xc0: {  	_ =	task [dreg:s23], $0x5FFFF  }
0xc1: {  	[dreg:$0x1] =	wrdreg $0xFFFFFFFF  }
0xc2: {  	[dreg:$0x0] =	wrdreg $0x60  }
0xc3: {  	[dreg:$0x2] =	wrdreg s2  }
0xc4: {  	[dreg:$0x3] =	wrdreg s18  }
0xc5: {  	[dreg:$0x4] =	wrdreg $0xA  }
0xc6: {  	_ =	task.clear_ibuf [dreg:s23], $0x5FFFF;
	_ =	strace $0x90000049  }
0xc7: {  	s29 =	simm.s32 $0xA;
	_ =	strace $0x8000004B  }
0xc8: {  	_ =	swait.ge [sflag:s29], $0x1  }
0xc9: {  	[sflag:s29] =	ssyncadd.s32 $0xFFFFFFFF  }
0xca: {  	_ =	strace $0x9000004B  }
0xcb: {  	_ =	sfence  }
0xcc: {  	s30 =	sld [smem:$0x0];
	_ =	sdelay $0x2  }
0xcd: {  	s31 =	sshll.u32 s1, $0xD;
	s1 =	sshrl.u32 s1, $0x2  }
0xce: {  	s4 =	sand.u32 $0x4000, s31;
	s1 =	sadd.s32 s1, s30  }
0xcf: {  	s0 =	sor.u32 s4, s0;
	s1 =	sshll.u32 s1, $0x11  }
0xd0: {  	s0 =	sor.u32 s1, s0  }
0xd1: {  	s0 =	sadd.s32 $0x8F2B, s0  }
0xd2: {  	[sflag:s0] =	ssyncadd.remote.s32 $0x1  }
0xd3: {  	_ =	sfence.sel $0xFFFF  }
0xd4: {  	[dreg:$0x0] =	wrdreg $0xFFFFFFFF;
	(pc) =	sbr.abs _section_cstart, $3  }
0xd5: {  	[dreg:$0x1] =	wrdreg $0xFFFFFFFF  }
0xd6: {  	_ =	task.clear_ibuf [dreg:s23], $0x2FFFF;
	_ =	strace $0x9FFFFFFF  }
0xd7: {  	(tm) =	ssettm $0x7FFFFFFF  }
tec
execute0_lowered:
.L_overlay_start_1:
0x0: {  	(tag) =	ssettag $0x1  }
0x1: {  	s1 =	srdreg.scid;
	s0 =	stileid.u32  }
0x2: {  	s1 =	sand.u32 $0x1, s1;
	s2 =	sshll.u32 s0, $0x1  }
0x3: {  	s2 =	sor.u32 s1, s2  }
0x4: {  	s3 =	smul.u32 $0xC38, s2  }
0x5: {  	s29 =	rddreg [dreg:$0x0]  }
0x6: {  	[dreg:$0xf] =	wrdreg s1;
	s2 =	simm.s32 $0x0;
	s3 =	smin.u32 s3, $0x17A68  }
0x7: {  	[smem:$0x7FF] =	sst s2;
	s30 =	sshll.u32 s3, $0x5  }
0x8: {  	s31 =	rddreg [dreg:$0x1];
	_ =	strace $0x8000004A;
	s3 =	sadd.s32 s29, s30  }
0x9: {  	s4 =	sadd.s32 $0x1700, s30;
	s6 =	sadd.s32 s31, s30;
	[dreg:$0x3] =	wrdreg s3  }
0xa: {  	s5 =	sadd.s32 s29, s4;
	[dreg:$0x5] =	wrdreg s6  }
0xb: {  	s9 =	sadd.s32 $0x4500, s30;
	s8 =	sadd.s32 s31, s4;
	[dreg:$0x4] =	wrdreg s5  }
0xc: {  	s12 =	sadd.s32 $0x5C00, s30;
	s10 =	sadd.s32 s29, s9;
	[dreg:$0x7] =	wrdreg s8  }
0xd: {  	s13 =	sadd.s32 s29, s12;
	[dreg:$0x8] =	wrdreg s10  }
0xe: {  	s14 =	sadd.s32 s31, s9;
	[dreg:$0xa] =	wrdreg s13  }
0xf: {  	s15 =	sadd.s32 $0x7300, s30;
	[dreg:$0xb] =	wrdreg s14  }
0x10: {  	s16 =	sadd.s32 s29, s15;
	s17 =	rddreg [dreg:$0x3]  }
0x11: {  	s18 =	sadd.s32 s31, s12;
	[dreg:$0xc] =	wrdreg s16  }
0x12: {  	s5 =	sadd.s32 $0x2E00, s30;
	[dreg:$0xd] =	wrdreg s18  }
0x13: {  	s7 =	sadd.s32 s29, s5;
	s19 =	rddreg [dreg:$0x4]  }
0x14: {  	[tilespmem:s2], [sflag:$0x1] =	stream.linear.gather [hbm4b:s17+s2], $0xB800, $0x38;
	[tilespmem:$0x17000] =	vst v63  }
0x15: {  	s11 =	sadd.s32 s31, s5;
	[dreg:$0x6] =	wrdreg s7  }
0x16: {  	s3 =	simm.s32 $0xB800;
	s4 =	simm.s32 $0x1;
	[dreg:$0x9] =	wrdreg s11  }
0x17: {  	[tilespmem:s3], [sflag:$0x2] =	stream.linear.gather [hbm4b:s19+s2], $0xB800, $0x38;
	[tilespmem:$0x17000] =	vst v63  }
0x18: {  	_ =	swait.ge [sflag:s4], $0xB800  }
0x19: {  	[sflag:s4] =	ssyncset.done $0x0  }
0x1a: {  	s5 =	simm.s32 $0x3;
	s6 =	rddreg [dreg:$0x5];
	[sflag:s4] =	ssyncadd.s32 $0xFFFF4800  }
0x1b: {  	[hbm4b:s6+s2] =	stream.linear.scatter [tilespmem:s2], [sflag:$0x3], $0xB800, $0x38;
	[tilespmem:$0x17000] =	vst v63  }
0x1c: {  	_ =	swait.ge [sflag:s5], $0xB800  }
0x1d: {  	[sflag:s5] =	ssyncset.done $0x0  }
0x1e: {  	s6 =	simm.s32 $0x2;
	s7 =	rddreg [dreg:$0x6];
	[sflag:s5] =	ssyncadd.s32 $0xFFFF4800  }
0x1f: {  	[tilespmem:s2], [sflag:$0x1] =	stream.linear.gather [hbm4b:s7+s2], $0xB800, $0x38;
	[tilespmem:$0x17000] =	vst v63  }
0x20: {  	_ =	swait.ge [sflag:s6], $0xB800  }
0x21: {  	[sflag:s6] =	ssyncset.done $0x0  }
0x22: {  	s7 =	simm.s32 $0x4;
	s8 =	rddreg [dreg:$0x7];
	[sflag:s6] =	ssyncadd.s32 $0xFFFF4800  }
0x23: {  	[hbm4b:s8+s2] =	stream.linear.scatter [tilespmem:s3], [sflag:$0x4], $0xB800, $0x38;
	[tilespmem:$0x17000] =	vst v63  }
0x24: {  	_ =	swait.ge [sflag:s7], $0xB800  }
0x25: {  	[sflag:s7] =	ssyncset.done $0x0  }
0x26: {  	s20 =	rddreg [dreg:$0x8];
	[sflag:s7] =	ssyncadd.s32 $0xFFFF4800  }
0x27: {  	[tilespmem:s3], [sflag:$0x2] =	stream.linear.gather [hbm4b:s20+s2], $0xB800, $0x38;
	[tilespmem:$0x17000] =	vst v63  }
0x28: {  	_ =	swait.ge [sflag:s4], $0xB800  }
0x29: {  	[sflag:s4] =	ssyncset.done $0x0  }
0x2a: {  	s21 =	rddreg [dreg:$0x9];
	[sflag:s4] =	ssyncadd.s32 $0xFFFF4800  }
0x2b: {  	[hbm4b:s21+s2] =	stream.linear.scatter [tilespmem:s2], [sflag:$0x3], $0xB800, $0x38;
	[tilespmem:$0x17000] =	vst v63  }
0x2c: {  	_ =	swait.ge [sflag:s5], $0xB800  }
0x2d: {  	[sflag:s5] =	ssyncset.done $0x0  }
0x2e: {  	s22 =	rddreg [dreg:$0xa];
	[sflag:s5] =	ssyncadd.s32 $0xFFFF4800  }
0x2f: {  	[tilespmem:s2], [sflag:$0x1] =	stream.linear.gather [hbm4b:s22+s2], $0xB800, $0x38;
	[tilespmem:$0x17000] =	vst v63  }
0x30: {  	_ =	swait.ge [sflag:s6], $0xB800  }
0x31: {  	[sflag:s6] =	ssyncset.done $0x0  }
0x32: {  	s23 =	rddreg [dreg:$0xb];
	[sflag:s6] =	ssyncadd.s32 $0xFFFF4800  }
0x33: {  	[hbm4b:s23+s2] =	stream.linear.scatter [tilespmem:s3], [sflag:$0x4], $0xB800, $0x38;
	[tilespmem:$0x17000] =	vst v63  }
0x34: {  	_ =	swait.ge [sflag:s7], $0xB800  }
0x35: {  	[sflag:s7] =	ssyncset.done $0x0  }
0x36: {  	s24 =	rddreg [dreg:$0xc];
	[sflag:s7] =	ssyncadd.s32 $0xFFFF4800  }
0x37: {  	[tilespmem:s3], [sflag:$0x2] =	stream.linear.gather [hbm4b:s24+s2], $0xB800, $0x38;
	[tilespmem:$0x17000] =	vst v63  }
0x38: {  	_ =	swait.ge [sflag:s4], $0xB800  }
0x39: {  	[sflag:s4] =	ssyncset.done $0x0  }
0x3a: {  	s25 =	rddreg [dreg:$0xd];
	[sflag:s4] =	ssyncadd.s32 $0xFFFF4800  }
0x3b: {  	[hbm4b:s25+s2] =	stream.linear.scatter [tilespmem:s2], [sflag:$0x3], $0xB800, $0x38;
	[tilespmem:$0x17000] =	vst v63  }
0x3c: {  	s11 =	sadd.s32 $0x8A00, s30;
	_ =	swait.ge [sflag:s5], $0xB800  }
0x3d: {  	s26 =	sadd.s32 s29, s11;
	[sflag:s5] =	ssyncset.done $0x0  }
0x3e: {  	[dreg:$0xe] =	wrdreg s26;
	[sflag:s5] =	ssyncadd.s32 $0xFFFF4800  }
0x3f: {  	[tilespmem:s2], [sflag:$0x1] =	stream.linear.gather [hbm4b:s26+s2], $0xB800, $0x38;
	[tilespmem:$0x17000] =	vst v63  }
0x40: {  	_ =	swait.ge [sflag:s6], $0xB800  }
0x41: {  	[sflag:s6] =	ssyncset.done $0x0  }
0x42: {  	s0 =	sadd.s32 s31, s15;
	[sflag:s6] =	ssyncadd.s32 $0xFFFF4800  }
0x43: {  	[hbm4b:s0+s2] =	stream.linear.scatter [tilespmem:s3], [sflag:$0x4], $0xB800, $0x38;
	[tilespmem:$0x17000] =	vst v63  }
0x44: {  	_ =	swait.ge [sflag:s7], $0xB800  }
0x45: {  	s13 =	sadd.s32 $0xA100, s30;
	[sflag:s7] =	ssyncset.done $0x0  }
0x46: {  	s10 =	sadd.s32 s29, s13;
	[sflag:s7] =	ssyncadd.s32 $0xFFFF4800  }
0x47: {  	[tilespmem:s3], [sflag:$0x2] =	stream.linear.gather [hbm4b:s10+s2], $0xB800, $0x38;
	[tilespmem:$0x17000] =	vst v63  }
0x48: {  	_ =	swait.ge [sflag:s4], $0xB800  }
0x49: {  	[sflag:s4] =	ssyncset.done $0x0  }
0x4a: {  	s11 =	sadd.s32 s31, s11;
	[sflag:s4] =	ssyncadd.s32 $0xFFFF4800  }
0x4b: {  	[hbm4b:s11+s2] =	stream.linear.scatter [tilespmem:s2], [sflag:$0x3], $0xB800, $0x38;
	[tilespmem:$0x17000] =	vst v63  }
0x4c: {  	_ =	swait.ge [sflag:s5], $0xB800  }
0x4d: {  	s15 =	sadd.s32 $0xB800, s30;
	[sflag:s5] =	ssyncset.done $0x0  }
0x4e: {  	s12 =	sadd.s32 s29, s15;
	[sflag:s5] =	ssyncadd.s32 $0xFFFF4800  }
0x4f: {  	[tilespmem:s2], [sflag:$0x1] =	stream.linear.gather [hbm4b:s12+s2], $0xB800, $0x38;
	[tilespmem:$0x17000] =	vst v63  }
0x50: {  	_ =	swait.ge [sflag:s6], $0xB800  }
0x51: {  	[sflag:s6] =	ssyncset.done $0x0  }
0x52: {  	s13 =	sadd.s32 s31, s13;
	[sflag:s6] =	ssyncadd.s32 $0xFFFF4800  }
0x53: {  	[hbm4b:s13+s2] =	stream.linear.scatter [tilespmem:s3], [sflag:$0x4], $0xB800, $0x38;
	[tilespmem:$0x17000] =	vst v63  }
0x54: {  	_ =	swait.ge [sflag:s7], $0xB800  }
0x55: {  	s17 =	sadd.s32 $0xCF00, s30;
	[sflag:s7] =	ssyncset.done $0x0  }
0x56: {  	s14 =	sadd.s32 s29, s17;
	[sflag:s7] =	ssyncadd.s32 $0xFFFF4800  }
0x57: {  	[tilespmem:s3], [sflag:$0x2] =	stream.linear.gather [hbm4b:s14+s2], $0xB800, $0x38;
	[tilespmem:$0x17000] =	vst v63  }
0x58: {  	_ =	swait.ge [sflag:s4], $0xB800  }
0x59: {  	[sflag:s4] =	ssyncset.done $0x0  }
0x5a: {  	s15 =	sadd.s32 s31, s15;
	[sflag:s4] =	ssyncadd.s32 $0xFFFF4800  }
0x5b: {  	[hbm4b:s15+s2] =	stream.linear.scatter [tilespmem:s2], [sflag:$0x3], $0xB800, $0x38;
	[tilespmem:$0x17000] =	vst v63  }
0x5c: {  	_ =	swait.ge [sflag:s5], $0xB800  }
0x5d: {  	s19 =	sadd.s32 $0xE600, s30;
	[sflag:s5] =	ssyncset.done $0x0  }
0x5e: {  	s16 =	sadd.s32 s29, s19;
	[sflag:s5] =	ssyncadd.s32 $0xFFFF4800  }
0x5f: {  	[tilespmem:s2], [sflag:$0x1] =	stream.linear.gather [hbm4b:s16+s2], $0xB800, $0x38;
	[tilespmem:$0x17000] =	vst v63  }
0x60: {  	_ =	swait.ge [sflag:s6], $0xB800  }
0x61: {  	[sflag:s6] =	ssyncset.done $0x0  }
0x62: {  	s17 =	sadd.s32 s31, s17;
	[sflag:s6] =	ssyncadd.s32 $0xFFFF4800  }
0x63: {  	[hbm4b:s17+s2] =	stream.linear.scatter [tilespmem:s3], [sflag:$0x4], $0xB800, $0x38;
	[tilespmem:$0x17000] =	vst v63  }
0x64: {  	_ =	swait.ge [sflag:s7], $0xB800  }
0x65: {  	s21 =	sadd.s32 $0xFD00, s30;
	[sflag:s7] =	ssyncset.done $0x0  }
0x66: {  	s18 =	sadd.s32 s29, s21;
	[sflag:s7] =	ssyncadd.s32 $0xFFFF4800  }
0x67: {  	[tilespmem:s3], [sflag:$0x2] =	stream.linear.gather [hbm4b:s18+s2], $0xB800, $0x38;
	[tilespmem:$0x17000] =	vst v63  }
0x68: {  	_ =	swait.ge [sflag:s4], $0xB800  }
0x69: {  	[sflag:s4] =	ssyncset.done $0x0  }
0x6a: {  	s19 =	sadd.s32 s31, s19;
	[sflag:s4] =	ssyncadd.s32 $0xFFFF4800  }
0x6b: {  	[hbm4b:s19+s2] =	stream.linear.scatter [tilespmem:s2], [sflag:$0x3], $0xB800, $0x38;
	[tilespmem:$0x17000] =	vst v63  }
0x6c: {  	_ =	swait.ge [sflag:s5], $0xB800  }
0x6d: {  	s23 =	sadd.s32 $0x11400, s30;
	[sflag:s5] =	ssyncset.done $0x0  }
0x6e: {  	s20 =	sadd.s32 s29, s23;
	[sflag:s5] =	ssyncadd.s32 $0xFFFF4800  }
0x6f: {  	[tilespmem:s2], [sflag:$0x1] =	stream.linear.gather [hbm4b:s20+s2], $0xB800, $0x38;
	[tilespmem:$0x17000] =	vst v63  }
0x70: {  	_ =	swait.ge [sflag:s6], $0xB800  }
0x71: {  	[sflag:s6] =	ssyncset.done $0x0  }
0x72: {  	s21 =	sadd.s32 s31, s21;
	[sflag:s6] =	ssyncadd.s32 $0xFFFF4800  }
0x73: {  	[hbm4b:s21+s2] =	stream.linear.scatter [tilespmem:s3], [sflag:$0x4], $0xB800, $0x38;
	[tilespmem:$0x17000] =	vst v63  }
0x74: {  	_ =	swait.ge [sflag:s7], $0xB800  }
0x75: {  	s25 =	sadd.s32 $0x12B00, s30;
	[sflag:s7] =	ssyncset.done $0x0  }
0x76: {  	s22 =	sadd.s32 s29, s25;
	[sflag:s7] =	ssyncadd.s32 $0xFFFF4800  }
0x77: {  	[tilespmem:s3], [sflag:$0x2] =	stream.linear.gather [hbm4b:s22+s2], $0xB800, $0x38;
	[tilespmem:$0x17000] =	vst v63  }
0x78: {  	_ =	swait.ge [sflag:s4], $0xB800  }
0x79: {  	[sflag:s4] =	ssyncset.done $0x0  }
0x7a: {  	s23 =	sadd.s32 s31, s23;
	[sflag:s4] =	ssyncadd.s32 $0xFFFF4800  }
0x7b: {  	[hbm4b:s23+s2] =	stream.linear.scatter [tilespmem:s2], [sflag:$0x3], $0xB800, $0x38;
	[tilespmem:$0x17000] =	vst v63  }
0x7c: {  	_ =	swait.ge [sflag:s5], $0xB800  }
0x7d: {  	s28 =	sadd.s32 $0x14200, s30;
	[sflag:s5] =	ssyncset.done $0x0  }
0x7e: {  	s24 =	sadd.s32 s29, s28;
	[sflag:s5] =	ssyncadd.s32 $0xFFFF4800  }
0x7f: {  	[tilespmem:s2], [sflag:$0x1] =	stream.linear.gather [hbm4b:s24+s2], $0xB800, $0x38;
	[tilespmem:$0x17000] =	vst v63  }
0x80: {  	_ =	swait.ge [sflag:s6], $0xB800  }
0x81: {  	[sflag:s6] =	ssyncset.done $0x0  }
0x82: {  	s25 =	sadd.s32 s31, s25;
	[sflag:s6] =	ssyncadd.s32 $0xFFFF4800  }
0x83: {  	[hbm4b:s25+s2] =	stream.linear.scatter [tilespmem:s3], [sflag:$0x4], $0xB800, $0x38;
	[tilespmem:$0x17000] =	vst v63  }
0x84: {  	_ =	swait.ge [sflag:s7], $0xB800  }
0x85: {  	s9 =	smov.u32 s0;
	s0 =	sadd.s32 $0x15900, s30;
	[sflag:s7] =	ssyncset.done $0x0  }
0x86: {  	s26 =	sadd.s32 s29, s0;
	[sflag:s7] =	ssyncadd.s32 $0xFFFF4800  }
0x87: {  	[tilespmem:s3], [sflag:$0x2] =	stream.linear.gather [hbm4b:s26+s2], $0xB800, $0x38;
	[tilespmem:$0x17000] =	vst v63  }
0x88: {  	_ =	swait.ge [sflag:s4], $0xB800  }
0x89: {  	[sflag:s4] =	ssyncset.done $0x0  }
0x8a: {  	s28 =	sadd.s32 s31, s28;
	[sflag:s4] =	ssyncadd.s32 $0xFFFF4800  }
0x8b: {  	[hbm4b:s28+s2] =	stream.linear.scatter [tilespmem:s2], [sflag:$0x3], $0xB800, $0x38;
	[tilespmem:$0x17000] =	vst v63  }
0x8c: {  	_ =	swait.ge [sflag:s5], $0xB800  }
0x8d: {  	s8 =	sadd.s32 $0x17000, s30;
	[sflag:s5] =	ssyncset.done $0x0  }
0x8e: {  	s29 =	sadd.s32 s29, s8;
	[sflag:s5] =	ssyncadd.s32 $0xFFFF4800  }
0x8f: {  	[tilespmem:s2], [sflag:$0x1] =	stream.linear.gather [hbm4b:s29+s2], $0xB800, $0x38;
	[tilespmem:$0x17000] =	vst v63  }
0x90: {  	_ =	swait.ge [sflag:s6], $0xB800  }
0x91: {  	[sflag:s6] =	ssyncset.done $0x0  }
0x92: {  	s30 =	sadd.s32 s31, s0;
	[sflag:s6] =	ssyncadd.s32 $0xFFFF4800  }
0x93: {  	[hbm4b:s30+s2] =	stream.linear.scatter [tilespmem:s3], [sflag:$0x4], $0xB800, $0x38;
	[tilespmem:$0x17000] =	vst v63  }
0x94: {  	_ =	swait.ge [sflag:s4], $0xB800  }
0x95: {  	[sflag:s4] =	ssyncset.done $0x0;
	s1 =	rddreg [dreg:$0xf]  }
0x96: {  	s31 =	sadd.s32 s31, s8;
	s0 =	ssub.s32 $0x2, s1;
	[sflag:s4] =	ssyncadd.s32 $0xFFFF4800  }
0x97: {  	[hbm4b:s31+s2] =	stream.linear.scatter [tilespmem:s2], [sflag:$0x3], $0xB800, $0x38;
	[tilespmem:$0x17000] =	vst v63  }
0x98: {  	s8 =	sshrl.u32 s0, $0x1  }
0x99: {  	s0 =	ssub.s32 s0, s8  }
0x9a: {  	s0 =	smax.u32 s0, $0x1  }
0x9b: {  	p0 =	sne.s32 s0, $0x1  }
.Ltmp0:
0x9c: {  	_ =	swait.ge [sflag:s5], $0xB800;
	(pc) =	sbr.rel @!p0 .LBB2_2-.Ltmp0, $4  }
0x9d: {  	[sflag:s5] =	ssyncset.done $0x0  }
0x9e: {  	[sflag:s5] =	ssyncadd.s32 $0xFFFF4800  }
0x9f: {  	_ =	swait.ge [sflag:s7], $0xB800  }
0xa0: {  	s1 =	sadd.s32 $0xFFFFFFFF, s0;
	[sflag:s7] =	ssyncset.done $0x0  }
.LBB2_1:
0xa1: {  	s0 =	rddreg [dreg:$0x3];
	[sflag:s7] =	ssyncadd.s32 $0xFFFF4800  }
0xa2: {  	[tilespmem:s2], [sflag:$0x1] =	stream.linear.gather [hbm4b:s0+s2], $0xB800, $0x38;
	[tilespmem:$0x17000] =	vst v63  }
0xa3: {  	s8 =	rddreg [dreg:$0x4]  }
0xa4: {  	[tilespmem:s3], [sflag:$0x2] =	stream.linear.gather [hbm4b:s8+s2], $0xB800, $0x38;
	[tilespmem:$0x17000] =	vst v63  }
0xa5: {  	_ =	swait.ge [sflag:s4], $0xB800  }
0xa6: {  	[sflag:s4] =	ssyncset.done $0x0  }
0xa7: {  	s8 =	rddreg [dreg:$0x5];
	[sflag:s4] =	ssyncadd.s32 $0xFFFF4800  }
0xa8: {  	[hbm4b:s8+s2] =	stream.linear.scatter [tilespmem:s2], [sflag:$0x3], $0xB800, $0x38;
	[tilespmem:$0x17000] =	vst v63  }
0xa9: {  	_ =	swait.ge [sflag:s5], $0xB800  }
0xaa: {  	[sflag:s5] =	ssyncset.done $0x0  }
0xab: {  	s8 =	rddreg [dreg:$0x6];
	[sflag:s5] =	ssyncadd.s32 $0xFFFF4800  }
0xac: {  	[tilespmem:s2], [sflag:$0x1] =	stream.linear.gather [hbm4b:s8+s2], $0xB800, $0x38;
	[tilespmem:$0x17000] =	vst v63  }
0xad: {  	_ =	swait.ge [sflag:s6], $0xB800  }
0xae: {  	[sflag:s6] =	ssyncset.done $0x0  }
0xaf: {  	s8 =	rddreg [dreg:$0x7];
	[sflag:s6] =	ssyncadd.s32 $0xFFFF4800  }
0xb0: {  	[hbm4b:s8+s2] =	stream.linear.scatter [tilespmem:s3], [sflag:$0x4], $0xB800, $0x38;
	[tilespmem:$0x17000] =	vst v63  }
0xb1: {  	_ =	swait.ge [sflag:s7], $0xB800  }
0xb2: {  	[sflag:s7] =	ssyncset.done $0x0  }
0xb3: {  	s8 =	rddreg [dreg:$0x8];
	[sflag:s7] =	ssyncadd.s32 $0xFFFF4800  }
0xb4: {  	[tilespmem:s3], [sflag:$0x2] =	stream.linear.gather [hbm4b:s8+s2], $0xB800, $0x38;
	[tilespmem:$0x17000] =	vst v63  }
0xb5: {  	_ =	swait.ge [sflag:s4], $0xB800  }
0xb6: {  	[sflag:s4] =	ssyncset.done $0x0  }
0xb7: {  	s8 =	rddreg [dreg:$0x9];
	[sflag:s4] =	ssyncadd.s32 $0xFFFF4800  }
0xb8: {  	[hbm4b:s8+s2] =	stream.linear.scatter [tilespmem:s2], [sflag:$0x3], $0xB800, $0x38;
	[tilespmem:$0x17000] =	vst v63  }
0xb9: {  	_ =	swait.ge [sflag:s5], $0xB800  }
0xba: {  	[sflag:s5] =	ssyncset.done $0x0  }
0xbb: {  	s8 =	rddreg [dreg:$0xa];
	[sflag:s5] =	ssyncadd.s32 $0xFFFF4800  }
0xbc: {  	[tilespmem:s2], [sflag:$0x1] =	stream.linear.gather [hbm4b:s8+s2], $0xB800, $0x38;
	[tilespmem:$0x17000] =	vst v63  }
0xbd: {  	_ =	swait.ge [sflag:s6], $0xB800  }
0xbe: {  	[sflag:s6] =	ssyncset.done $0x0  }
0xbf: {  	s8 =	rddreg [dreg:$0xb];
	[sflag:s6] =	ssyncadd.s32 $0xFFFF4800  }
0xc0: {  	[hbm4b:s8+s2] =	stream.linear.scatter [tilespmem:s3], [sflag:$0x4], $0xB800, $0x38;
	[tilespmem:$0x17000] =	vst v63  }
0xc1: {  	_ =	swait.ge [sflag:s7], $0xB800  }
0xc2: {  	[sflag:s7] =	ssyncset.done $0x0  }
0xc3: {  	s8 =	rddreg [dreg:$0xc];
	[sflag:s7] =	ssyncadd.s32 $0xFFFF4800  }
0xc4: {  	[tilespmem:s3], [sflag:$0x2] =	stream.linear.gather [hbm4b:s8+s2], $0xB800, $0x38;
	[tilespmem:$0x17000] =	vst v63  }
0xc5: {  	_ =	swait.ge [sflag:s4], $0xB800  }
0xc6: {  	[sflag:s4] =	ssyncset.done $0x0  }
0xc7: {  	s8 =	rddreg [dreg:$0xd];
	[sflag:s4] =	ssyncadd.s32 $0xFFFF4800  }
0xc8: {  	[hbm4b:s8+s2] =	stream.linear.scatter [tilespmem:s2], [sflag:$0x3], $0xB800, $0x38;
	[tilespmem:$0x17000] =	vst v63  }
0xc9: {  	_ =	swait.ge [sflag:s5], $0xB800  }
0xca: {  	[sflag:s5] =	ssyncset.done $0x0  }
0xcb: {  	s8 =	rddreg [dreg:$0xe];
	[sflag:s5] =	ssyncadd.s32 $0xFFFF4800  }
0xcc: {  	[tilespmem:s2], [sflag:$0x1] =	stream.linear.gather [hbm4b:s8+s2], $0xB800, $0x38;
	[tilespmem:$0x17000] =	vst v63  }
0xcd: {  	_ =	swait.ge [sflag:s6], $0xB800  }
0xce: {  	[sflag:s6] =	ssyncset.done $0x0  }
0xcf: {  	[sflag:s6] =	ssyncadd.s32 $0xFFFF4800  }
0xd0: {  	[hbm4b:s9+s2] =	stream.linear.scatter [tilespmem:s3], [sflag:$0x4], $0xB800, $0x38;
	[tilespmem:$0x17000] =	vst v63  }
0xd1: {  	_ =	swait.ge [sflag:s7], $0xB800  }
0xd2: {  	[sflag:s7] =	ssyncset.done $0x0  }
0xd3: {  	[sflag:s7] =	ssyncadd.s32 $0xFFFF4800  }
0xd4: {  	[tilespmem:s3], [sflag:$0x2] =	stream.linear.gather [hbm4b:s10+s2], $0xB800, $0x38;
	[tilespmem:$0x17000] =	vst v63  }
0xd5: {  	_ =	swait.ge [sflag:s4], $0xB800  }
0xd6: {  	[sflag:s4] =	ssyncset.done $0x0  }
0xd7: {  	[sflag:s4] =	ssyncadd.s32 $0xFFFF4800  }
0xd8: {  	[hbm4b:s11+s2] =	stream.linear.scatter [tilespmem:s2], [sflag:$0x3], $0xB800, $0x38;
	[tilespmem:$0x17000] =	vst v63  }
0xd9: {  	_ =	swait.ge [sflag:s5], $0xB800  }
0xda: {  	[sflag:s5] =	ssyncset.done $0x0  }
0xdb: {  	[sflag:s5] =	ssyncadd.s32 $0xFFFF4800  }
0xdc: {  	[tilespmem:s2], [sflag:$0x1] =	stream.linear.gather [hbm4b:s12+s2], $0xB800, $0x38;
	[tilespmem:$0x17000] =	vst v63  }
0xdd: {  	_ =	swait.ge [sflag:s6], $0xB800  }
0xde: {  	[sflag:s6] =	ssyncset.done $0x0  }
0xdf: {  	[sflag:s6] =	ssyncadd.s32 $0xFFFF4800  }
0xe0: {  	[hbm4b:s13+s2] =	stream.linear.scatter [tilespmem:s3], [sflag:$0x4], $0xB800, $0x38;
	[tilespmem:$0x17000] =	vst v63  }
0xe1: {  	_ =	swait.ge [sflag:s7], $0xB800  }
0xe2: {  	[sflag:s7] =	ssyncset.done $0x0  }
0xe3: {  	[sflag:s7] =	ssyncadd.s32 $0xFFFF4800  }
0xe4: {  	[tilespmem:s3], [sflag:$0x2] =	stream.linear.gather [hbm4b:s14+s2], $0xB800, $0x38;
	[tilespmem:$0x17000] =	vst v63  }
0xe5: {  	_ =	swait.ge [sflag:s4], $0xB800  }
0xe6: {  	[sflag:s4] =	ssyncset.done $0x0  }
0xe7: {  	[sflag:s4] =	ssyncadd.s32 $0xFFFF4800  }
0xe8: {  	[hbm4b:s15+s2] =	stream.linear.scatter [tilespmem:s2], [sflag:$0x3], $0xB800, $0x38;
	[tilespmem:$0x17000] =	vst v63  }
0xe9: {  	_ =	swait.ge [sflag:s5], $0xB800  }
0xea: {  	[sflag:s5] =	ssyncset.done $0x0  }
0xeb: {  	[sflag:s5] =	ssyncadd.s32 $0xFFFF4800  }
0xec: {  	[tilespmem:s2], [sflag:$0x1] =	stream.linear.gather [hbm4b:s16+s2], $0xB800, $0x38;
	[tilespmem:$0x17000] =	vst v63  }
0xed: {  	_ =	swait.ge [sflag:s6], $0xB800  }
0xee: {  	[sflag:s6] =	ssyncset.done $0x0  }
0xef: {  	[sflag:s6] =	ssyncadd.s32 $0xFFFF4800  }
0xf0: {  	[hbm4b:s17+s2] =	stream.linear.scatter [tilespmem:s3], [sflag:$0x4], $0xB800, $0x38;
	[tilespmem:$0x17000] =	vst v63  }
0xf1: {  	_ =	swait.ge [sflag:s7], $0xB800  }
0xf2: {  	[sflag:s7] =	ssyncset.done $0x0  }
0xf3: {  	[sflag:s7] =	ssyncadd.s32 $0xFFFF4800  }
0xf4: {  	[tilespmem:s3], [sflag:$0x2] =	stream.linear.gather [hbm4b:s18+s2], $0xB800, $0x38;
	[tilespmem:$0x17000] =	vst v63  }
0xf5: {  	_ =	swait.ge [sflag:s4], $0xB800  }
0xf6: {  	[sflag:s4] =	ssyncset.done $0x0  }
0xf7: {  	[sflag:s4] =	ssyncadd.s32 $0xFFFF4800  }
0xf8: {  	[hbm4b:s19+s2] =	stream.linear.scatter [tilespmem:s2], [sflag:$0x3], $0xB800, $0x38;
	[tilespmem:$0x17000] =	vst v63  }
0xf9: {  	_ =	swait.ge [sflag:s5], $0xB800  }
0xfa: {  	[sflag:s5] =	ssyncset.done $0x0  }
0xfb: {  	[sflag:s5] =	ssyncadd.s32 $0xFFFF4800  }
0xfc: {  	[tilespmem:s2], [sflag:$0x1] =	stream.linear.gather [hbm4b:s20+s2], $0xB800, $0x38;
	[tilespmem:$0x17000] =	vst v63  }
0xfd: {  	_ =	swait.ge [sflag:s6], $0xB800  }
0xfe: {  	[sflag:s6] =	ssyncset.done $0x0  }
0xff: {  	[sflag:s6] =	ssyncadd.s32 $0xFFFF4800  }
0x100: {  	[hbm4b:s21+s2] =	stream.linear.scatter [tilespmem:s3], [sflag:$0x4], $0xB800, $0x38;
	[tilespmem:$0x17000] =	vst v63  }
0x101: {  	_ =	swait.ge [sflag:s7], $0xB800  }
0x102: {  	[sflag:s7] =	ssyncset.done $0x0  }
0x103: {  	[sflag:s7] =	ssyncadd.s32 $0xFFFF4800  }
0x104: {  	[tilespmem:s3], [sflag:$0x2] =	stream.linear.gather [hbm4b:s22+s2], $0xB800, $0x38;
	[tilespmem:$0x17000] =	vst v63  }
0x105: {  	_ =	swait.ge [sflag:s4], $0xB800  }
0x106: {  	[sflag:s4] =	ssyncset.done $0x0  }
0x107: {  	[sflag:s4] =	ssyncadd.s32 $0xFFFF4800  }
0x108: {  	[hbm4b:s23+s2] =	stream.linear.scatter [tilespmem:s2], [sflag:$0x3], $0xB800, $0x38;
	[tilespmem:$0x17000] =	vst v63  }
0x109: {  	_ =	swait.ge [sflag:s5], $0xB800  }
0x10a: {  	[sflag:s5] =	ssyncset.done $0x0  }
0x10b: {  	[sflag:s5] =	ssyncadd.s32 $0xFFFF4800  }
0x10c: {  	[tilespmem:s2], [sflag:$0x1] =	stream.linear.gather [hbm4b:s24+s2], $0xB800, $0x38;
	[tilespmem:$0x17000] =	vst v63  }
0x10d: {  	_ =	swait.ge [sflag:s6], $0xB800  }
0x10e: {  	[sflag:s6] =	ssyncset.done $0x0  }
0x10f: {  	[sflag:s6] =	ssyncadd.s32 $0xFFFF4800  }
0x110: {  	[hbm4b:s25+s2] =	stream.linear.scatter [tilespmem:s3], [sflag:$0x4], $0xB800, $0x38;
	[tilespmem:$0x17000] =	vst v63  }
0x111: {  	_ =	swait.ge [sflag:s7], $0xB800  }
0x112: {  	[sflag:s7] =	ssyncset.done $0x0  }
0x113: {  	[sflag:s7] =	ssyncadd.s32 $0xFFFF4800  }
0x114: {  	[tilespmem:s3], [sflag:$0x2] =	stream.linear.gather [hbm4b:s26+s2], $0xB800, $0x38;
	[tilespmem:$0x17000] =	vst v63  }
0x115: {  	_ =	swait.ge [sflag:s4], $0xB800  }
0x116: {  	[sflag:s4] =	ssyncset.done $0x0  }
0x117: {  	[sflag:s4] =	ssyncadd.s32 $0xFFFF4800  }
0x118: {  	[hbm4b:s28+s2] =	stream.linear.scatter [tilespmem:s2], [sflag:$0x3], $0xB800, $0x38;
	[tilespmem:$0x17000] =	vst v63  }
0x119: {  	_ =	swait.ge [sflag:s5], $0xB800  }
0x11a: {  	[sflag:s5] =	ssyncset.done $0x0  }
0x11b: {  	[sflag:s5] =	ssyncadd.s32 $0xFFFF4800  }
0x11c: {  	[tilespmem:s2], [sflag:$0x1] =	stream.linear.gather [hbm4b:s29+s2], $0xB800, $0x38;
	[tilespmem:$0x17000] =	vst v63  }
0x11d: {  	_ =	swait.ge [sflag:s6], $0xB800  }
0x11e: {  	[sflag:s6] =	ssyncset.done $0x0  }
0x11f: {  	[sflag:s6] =	ssyncadd.s32 $0xFFFF4800  }
0x120: {  	[hbm4b:s30+s2] =	stream.linear.scatter [tilespmem:s3], [sflag:$0x4], $0xB800, $0x38;
	[tilespmem:$0x17000] =	vst v63  }
0x121: {  	_ =	swait.ge [sflag:s4], $0xB800  }
0x122: {  	[sflag:s4] =	ssyncset.done $0x0  }
0x123: {  	p0 =	sne.s32 s1, $0x1;
	[sflag:s4] =	ssyncadd.s32 $0xFFFF4800  }
0x124: {  	[hbm4b:s31+s2] =	stream.linear.scatter [tilespmem:s2], [sflag:$0x3], $0xB800, $0x38;
	[tilespmem:$0x17000] =	vst v63  }
.Ltmp1:
0x125: {  	_ =	swait.ge [sflag:s5], $0xB800;
	(pc) =	sbr.rel @p0 .LBB2_1-.Ltmp1, $4  }
0x126: {  	[sflag:s5] =	ssyncset.done $0x0  }
0x127: {  	[sflag:s5] =	ssyncadd.s32 $0xFFFF4800  }
0x128: {  	_ =	swait.ge [sflag:s7], $0xB800  }
0x129: {  	s1 =	sadd.s32 $0xFFFFFFFF, s1;
	[sflag:s7] =	ssyncset.done $0x0  }
.LBB2_2:
0x12a: {  	[sflag:s7] =	ssyncadd.s32 $0xFFFF4800  }
0x12b: {  	_ =	sfence.sel $0x180000  }
0x12c: {  	[bflag:$0x0] =	sbarrier.arrive $0xFFFF  }
0x12d: {  	_ =	strace $0x9000004A  }
0x12e: {  	s0 =	stileid.u32;
	[bflag:$0x2] =	sbarrier.arrive $0xFFFF  }
0x12f: {  	p0 =	sne.s32 s0, $0x0;
	s0 =	rddreg [dreg:$0x2]  }
0x130: {  	s0 =	sadd.s32 @!p0 $0x100000, s0  }
0x131: {  	[sflag:s0] =	ssyncadd.tile.s32 @!p0 $0x1;
	_ =	shalt  }
.Lfunc_end2:
_tile_overlayer_lowered:
.L_overlay_start_2:
0x132: {  	(tag) =	ssettag $0x2  }
0x133: {  	s0 =	rddreg [dreg:$0x0];
	s2 =	stileid.u32  }
0x134: {  	s1 =	rddreg [dreg:$0x1];
	p0 =	sne.s32 s2, $0x0  }
0x135: {  	s3 =	rddreg [dreg:$0x2];
	[bflag:$0x3] =	sbarrier.arrive $0xFFFF;
	s2 =	simm.s32 @!p0 $0x1C05  }
0x136: {  	[timem:s3], [sflag:s2] =	dma.local @!p0 [hbm:s0], s1  }
0x137: {  	s0 =	simm.s32 @!p0 $0x5  }
0x138: {  	_ =	swait.ge @!p0 [sflag:s0], s1  }
0x139: {  	s1 =	ssub.s32 @!p0 $0x0, s1;
	[sflag:s0] =	ssyncset.done @!p0 $0x0  }
0x13a: {  	[sflag:s0] =	ssyncadd.s32 @!p0 s1  }
0x13b: {  	[bflag:$0x3] =	sbarrier.arrive $0xFFFF  }
0x13c: {  	_ =	shalt  }

</sc_bundles>
